<compile_context>
chip_gen: v7x
topology: tpu7x:2x2x1
jax: 0.10.2.dev20260603
libtpu: 0.0.44.dev20260713+nightly
codegen_flags: <defaults>
</compile_context>

<pallas_src>
import functools

import jax
import jax.numpy as jnp
from jax import lax
from jax.experimental import pallas as pl
from jax.experimental.pallas import tpu as pltpu
from jax.experimental.pallas import tpu_sc as plsc

B = 4096
S = 200
E = 64
NC = 2
NS = 16
NW = NC * NS
BPW = B // NW

_SPLIT0 = 96
_SPLIT1 = S - _SPLIT0

_mesh = plsc.VectorSubcoreMesh(core_axis_name="c", subcore_axis_name="s")

@functools.partial(
    pl.kernel,
    out_type=jax.ShapeDtypeStruct((B, 2 * E), jnp.float32),
    mesh=_mesh,
    compiler_params=pltpu.CompilerParams(
        use_tc_tiling_on_sc=False, needs_layout_passes=False),
    scratch_types=[
        pltpu.VMEM((2 * BPW, S), jnp.int32),
        pltpu.VMEM((4, S, E), jnp.bfloat16),
        pltpu.VMEM((BPW, 2 * E), jnp.float32),
        pltpu.SemaphoreType.DMA,
        pltpu.SemaphoreType.DMA,
        pltpu.SemaphoreType.DMA,
        pltpu.SemaphoreType.DMA,
    ],
)
def _pool_kernel(a_hbm, b_hbm, table_hbm, out_hbm, idx_v, rows_v, out_v,
                 sem0, sem1, sem2, sem3):
    wid = lax.axis_index("s") * NC + lax.axis_index("c")
    base = wid * BPW
    sems = (sem0, sem1, sem2, sem3)
    nseg = 2 * BPW

    def gather_seg(s, p, sem):
        pltpu.make_async_copy(
            table_hbm.at[idx_v.at[s, pl.ds(0, _SPLIT0)]],
            rows_v.at[p, pl.ds(0, _SPLIT0)], sem).start()
        pltpu.make_async_copy(
            table_hbm.at[idx_v.at[s, pl.ds(_SPLIT0, _SPLIT1)]],
            rows_v.at[p, pl.ds(_SPLIT0, _SPLIT1)], sem).start()

    def wait_seg(p, sem):
        pltpu.make_async_copy(
            table_hbm.at[pl.ds(0, S)], rows_v.at[p], sem).wait()

    iota2 = 2 * lax.iota(jnp.int32, 16)

    def acc_seg(p, s):
        t = s // BPW
        row = s - t * BPW
        col0 = t * E
        mask_hi = jnp.uint32(0xFFFF0000)

        def body(r, accs):
            new = []
            for j in range(2):
                w = rows_v[p, r, pl.ds(32 * j, 32)]
                u = plsc.bitcast(w, jnp.uint32)
                ev = plsc.bitcast(u << 16, jnp.float32)
                od = plsc.bitcast(u & mask_hi, jnp.float32)
                new.append(accs[2 * j] + ev)
                new.append(accs[2 * j + 1] + od)
            return tuple(new)

        z = jnp.zeros((16,), jnp.float32)
        accs = lax.fori_loop(0, S, body, (z, z, z, z), unroll=8)
        rowv = jnp.full((16,), row, jnp.int32)
        for j in range(2):
            for h in range(2):
                colv = iota2 + (col0 + 32 * j + h)
                plsc.store_scatter(out_v, [rowv, colv], accs[2 * j + h])

    pltpu.sync_copy(a_hbm.at[pl.ds(base, BPW)], idx_v.at[pl.ds(0, BPW)])
    pltpu.sync_copy(b_hbm.at[pl.ds(base, BPW)], idx_v.at[pl.ds(BPW, BPW)])

    for p in range(3):
        gather_seg(p, p, sems[p])

    def g_body(g4, carry):
        for q in range(4):
            s = 4 * g4 + q
            wait_seg(q, sems[q])
            pn = (q + 3) % 4

            @pl.when(s + 3 < nseg)
            def _():
                gather_seg(s + 3, pn, sems[pn])

            acc_seg(q, s)
        return carry

    lax.fori_loop(0, nseg // 4, g_body, 0)
    pltpu.sync_copy(out_v, out_hbm.at[pl.ds(base, BPW)])


def _mlp_body(x_ref, w1_ref, b1_ref, w2_ref, b2_ref, o_ref):
    h = jnp.dot(x_ref[...], w1_ref[...], preferred_element_type=jnp.float32)
    h = jnp.maximum(h + b1_ref[...], 0.0)
    z = jnp.dot(h, w2_ref[...], preferred_element_type=jnp.float32)
    o_ref[...] = jax.nn.sigmoid(z + b2_ref[...])


def _mlp(pooled, W1, b1, W2, b2):
    H = W1.shape[1]
    bm = 512
    return pl.pallas_call(
        _mlp_body,
        grid=(B // bm,),
        in_specs=[
            pl.BlockSpec((bm, 2 * E), lambda i: (i, 0)),
            pl.BlockSpec((2 * E, H), lambda i: (0, 0)),
            pl.BlockSpec((H,), lambda i: (0,)),
            pl.BlockSpec((H, 1), lambda i: (0, 0)),
            pl.BlockSpec((1,), lambda i: (0,)),
        ],
        out_specs=pl.BlockSpec((bm, 1), lambda i: (i, 0)),
        out_shape=jax.ShapeDtypeStruct((B, 1), jnp.float32),
    )(pooled, W1, b1, W2, b2)


def kernel(text_a_ids, text_b_ids, emb_table, W1, b1, W2, b2):
    tbl16 = emb_table.astype(jnp.bfloat16)
    pooled = _pool_kernel(text_a_ids, text_b_ids, tbl16)
    return _mlp(pooled, W1, b1, W2, b2)

# --- scband reference (transcript-rebuilt; emitter-appended) ---
"""Pipeline reference for scband-bo-w-58832462021290 (READ-ONLY COPY).

The authoritative reference and input builder live on the scoring server;
editing this copy changes nothing except your own understanding.
"""

import jax, jax.numpy as jnp
import numpy as np

VOCAB = 100000
EMBED = 64
HIDDEN = 50
OUT = 1
BATCH = 4096
SEQ = 200

def setup_inputs(seed: int = 0) -> dict:
    key = jax.random.key(seed)
    k1, k2, k3, k4, k5, k6, k7 = jax.random.split(key, 7)
    text_a_ids = jax.random.randint(k1, (BATCH, SEQ), 0, VOCAB, dtype=jnp.int64) if jax.config.jax_enable_x64 else jax.random.randint(k1, (BATCH, SEQ), 0, VOCAB, dtype=jnp.int32)
    text_b_ids = jax.random.randint(k2, (BATCH, SEQ), 0, VOCAB, dtype=jnp.int64) if jax.config.jax_enable_x64 else jax.random.randint(k2, (BATCH, SEQ), 0, VOCAB, dtype=jnp.int32)
    emb_table = jax.random.normal(k3, (VOCAB, EMBED), dtype=jnp.float32) * 0.05
    W1 = jax.random.normal(k4, (2 * EMBED, HIDDEN), dtype=jnp.float32) * (1.0 / np.sqrt(2 * EMBED))
    b1 = jnp.zeros((HIDDEN,), dtype=jnp.float32)
    W2 = jax.random.normal(k5, (HIDDEN, OUT), dtype=jnp.float32) * (1.0 / np.sqrt(HIDDEN))
    b2 = jnp.zeros((OUT,), dtype=jnp.float32)
    return {"text_a_ids": text_a_ids, "text_b_ids": text_b_ids, "emb_table": emb_table, "W1": W1, "b1": b1, "W2": W2, "b2": b2}

def reference(text_a_ids, text_b_ids, emb_table, W1, b1, W2, b2):
    # embedding lookup (gather) for both text inputs
    a_embd = jnp.take(emb_table, text_a_ids, axis=0)  # [B, S, E]
    b_embd = jnp.take(emb_table, text_b_ids, axis=0)  # [B, S, E]
    # encoder: sum over sequence axis (mask_zero does not affect raw reduce_sum)
    a_enc = jnp.sum(a_embd, axis=1)  # [B, E]
    b_enc = jnp.sum(b_embd, axis=1)  # [B, E]
    concat = jnp.concatenate([a_enc, b_enc], axis=-1)  # [B, 2E]
    hidden = jax.nn.relu(concat @ W1 + b1)  # [B, H]
    logits = hidden @ W2 + b2  # [B, OUT]
    return jax.nn.sigmoid(logits)

if __name__ == "__main__":
    import jax
    _d = setup_inputs()
    print(jax.jit(kernel)(*tuple(_d.values())))

</pallas_src>

<mosaic_0001>
#map = affine_map<(d0, d1) -> (0, 0)>
module attributes {stable_mosaic.version = 14 : i64} {
  func.func @_pool_kernel(%arg0: i32, %arg1: i32, %arg2: memref<4096x200xi32, #tpu.memory_space<hbm>>, %arg3: memref<4096x200xi32, #tpu.memory_space<hbm>>, %arg4: memref<100000x64xbf16, #tpu.memory_space<hbm>>, %arg5: memref<4096x128xf32, #tpu.memory_space<hbm>>, %arg6: memref<256x200xi32, #tpu.memory_space<vmem>>, %arg7: memref<4x200x64xbf16, #tpu.memory_space<vmem>>, %arg8: memref<128x128xf32, #tpu.memory_space<vmem>>, %arg9: memref<!tpu.dma_semaphore, #tpu.memory_space<semaphore_mem>>, %arg10: memref<!tpu.dma_semaphore, #tpu.memory_space<semaphore_mem>>, %arg11: memref<!tpu.dma_semaphore, #tpu.memory_space<semaphore_mem>>, %arg12: memref<!tpu.dma_semaphore, #tpu.memory_space<semaphore_mem>>) attributes {dimension_semantics = [#tpu.dimension_semantics<core_parallel>, #tpu.dimension_semantics<subcore_parallel>], iteration_bounds = array<i64: 2, 16>, scalar_prefetch = 0 : i64, scratch_operands = 7 : i64, tpu.core_type = #tpu.core_type<sc_vector_subcore>, window_params = [{transform_indices = #map}, {transform_indices = #map}, {transform_indices = #map}, {transform_indices = #map}]} {
    %mul3A = arith.constant 2 : i32
    %mul3A_0 = arith.muli %arg1, %mul3A : i32
    %add3A = arith.addi %mul3A_0, %arg0 : i32
    %mul3A_1 = arith.constant 128 : i32
    %mul3A_2 = arith.muli %add3A, %mul3A_1 : i32
    %iota3A = tpu.iota {dimensions = array<i32: 0>} : vector<16xi32>
    %mul3A_3 = arith.constant 2 : i32
    %mul3A_4 = vector.broadcast %mul3A_3 : i32 to vector<16xi32>
    %mul3A_5 = arith.muli %mul3A_4, %iota3A : vector<16xi32>
    "tpu.region"() ({
      %run_scoped3A = tpu.sem_alloc : memref<!tpu.dma_semaphore, #tpu.memory_space<semaphore_mem>>
      %dma_start3A_82 = arith.constant 0 : i32
      %dma_start3A_83 = arith.constant 0 : i32
      %dma_start3A_84 = tpu.memref_slice %arg6[%dma_start3A_82, %dma_start3A_83] : memref<256x200xi32, #tpu.memory_space<vmem>> -> memref<128x200xi32, #tpu.memory_space<vmem>>
      %dma_start3A_85 = arith.constant 0 : i32
      %dma_start3A_86 = tpu.memref_slice %arg2[%mul3A_2, %dma_start3A_85] : memref<4096x200xi32, #tpu.memory_space<hbm>> -> memref<128x200xi32, #tpu.memory_space<hbm>>
      %dma_start3A_87 = arith.constant 0 : i32
      %dma_start3A_88 = arith.constant 0 : i32
      %dma_start3A_89 = tpu.memref_slice %arg6[%dma_start3A_87, %dma_start3A_88] : memref<256x200xi32, #tpu.memory_space<vmem>> -> memref<128x200xi32, #tpu.memory_space<vmem>>
      %dma_start3A_90 = arith.constant 0 : i32
      %dma_start3A_91 = tpu.memref_slice %arg2[%mul3A_2, %dma_start3A_90] : memref<4096x200xi32, #tpu.memory_space<hbm>> -> memref<128x200xi32, #tpu.memory_space<hbm>>
      tpu.enqueue_dma source(%dma_start3A_91 : memref<128x200xi32, #tpu.memory_space<hbm>>) target(%dma_start3A_89 : memref<128x200xi32, #tpu.memory_space<vmem>>) target_semaphore(%run_scoped3A : memref<!tpu.dma_semaphore, #tpu.memory_space<semaphore_mem>>)
      %dma_wait3A = arith.constant 0 : i32
      %dma_wait3A_92 = arith.constant 0 : i32
      %dma_wait3A_93 = tpu.memref_slice %arg6[%dma_wait3A, %dma_wait3A_92] : memref<256x200xi32, #tpu.memory_space<vmem>> -> memref<128x200xi32, #tpu.memory_space<vmem>>
      %dma_wait3A_94 = arith.constant 0 : i32
      %dma_wait3A_95 = tpu.memref_slice %arg2[%mul3A_2, %dma_wait3A_94] : memref<4096x200xi32, #tpu.memory_space<hbm>> -> memref<128x200xi32, #tpu.memory_space<hbm>>
      %dma_wait3A_96 = arith.constant 0 : i32
      %dma_wait3A_97 = arith.constant 0 : i32
      %dma_wait3A_98 = tpu.memref_slice %arg6[%dma_wait3A_96, %dma_wait3A_97] : memref<256x200xi32, #tpu.memory_space<vmem>> -> memref<128x200xi32, #tpu.memory_space<vmem>>
      %dma_wait3A_99 = arith.constant 0 : i32
      %dma_wait3A_100 = tpu.memref_slice %arg2[%mul3A_2, %dma_wait3A_99] : memref<4096x200xi32, #tpu.memory_space<hbm>> -> memref<128x200xi32, #tpu.memory_space<hbm>>
      tpu.wait_dma2 semaphore(%run_scoped3A : memref<!tpu.dma_semaphore, #tpu.memory_space<semaphore_mem>>) src(%dma_wait3A_100 : memref<128x200xi32, #tpu.memory_space<hbm>>) dst(%dma_wait3A_98 : memref<128x200xi32, #tpu.memory_space<vmem>>)
      tpu.yield
    }) : () -> ()
    "tpu.region"() ({
      %run_scoped3A = tpu.sem_alloc : memref<!tpu.dma_semaphore, #tpu.memory_space<semaphore_mem>>
      %dma_start3A_82 = arith.constant 128 : i32
      %dma_start3A_83 = arith.constant 0 : i32
      %dma_start3A_84 = tpu.memref_slice %arg6[%dma_start3A_82, %dma_start3A_83] : memref<256x200xi32, #tpu.memory_space<vmem>> -> memref<128x200xi32, #tpu.memory_space<vmem>>
      %dma_start3A_85 = arith.constant 0 : i32
      %dma_start3A_86 = tpu.memref_slice %arg3[%mul3A_2, %dma_start3A_85] : memref<4096x200xi32, #tpu.memory_space<hbm>> -> memref<128x200xi32, #tpu.memory_space<hbm>>
      %dma_start3A_87 = arith.constant 128 : i32
      %dma_start3A_88 = arith.constant 0 : i32
      %dma_start3A_89 = tpu.memref_slice %arg6[%dma_start3A_87, %dma_start3A_88] : memref<256x200xi32, #tpu.memory_space<vmem>> -> memref<128x200xi32, #tpu.memory_space<vmem>>
      %dma_start3A_90 = arith.constant 0 : i32
      %dma_start3A_91 = tpu.memref_slice %arg3[%mul3A_2, %dma_start3A_90] : memref<4096x200xi32, #tpu.memory_space<hbm>> -> memref<128x200xi32, #tpu.memory_space<hbm>>
      tpu.enqueue_dma source(%dma_start3A_91 : memref<128x200xi32, #tpu.memory_space<hbm>>) target(%dma_start3A_89 : memref<128x200xi32, #tpu.memory_space<vmem>>) target_semaphore(%run_scoped3A : memref<!tpu.dma_semaphore, #tpu.memory_space<semaphore_mem>>)
      %dma_wait3A = arith.constant 128 : i32
      %dma_wait3A_92 = arith.constant 0 : i32
      %dma_wait3A_93 = tpu.memref_slice %arg6[%dma_wait3A, %dma_wait3A_92] : memref<256x200xi32, #tpu.memory_space<vmem>> -> memref<128x200xi32, #tpu.memory_space<vmem>>
      %dma_wait3A_94 = arith.constant 0 : i32
      %dma_wait3A_95 = tpu.memref_slice %arg3[%mul3A_2, %dma_wait3A_94] : memref<4096x200xi32, #tpu.memory_space<hbm>> -> memref<128x200xi32, #tpu.memory_space<hbm>>
      %dma_wait3A_96 = arith.constant 128 : i32
      %dma_wait3A_97 = arith.constant 0 : i32
      %dma_wait3A_98 = tpu.memref_slice %arg6[%dma_wait3A_96, %dma_wait3A_97] : memref<256x200xi32, #tpu.memory_space<vmem>> -> memref<128x200xi32, #tpu.memory_space<vmem>>
      %dma_wait3A_99 = arith.constant 0 : i32
      %dma_wait3A_100 = tpu.memref_slice %arg3[%mul3A_2, %dma_wait3A_99] : memref<4096x200xi32, #tpu.memory_space<hbm>> -> memref<128x200xi32, #tpu.memory_space<hbm>>
      tpu.wait_dma2 semaphore(%run_scoped3A : memref<!tpu.dma_semaphore, #tpu.memory_space<semaphore_mem>>) src(%dma_wait3A_100 : memref<128x200xi32, #tpu.memory_space<hbm>>) dst(%dma_wait3A_98 : memref<128x200xi32, #tpu.memory_space<vmem>>)
      tpu.yield
    }) : () -> ()
    %dma_start3A = arith.constant 0 : i32
    %dma_start3A_6 = arith.constant 0 : i32
    %dma_start3A_7 = arith.constant 0 : i32
    %dma_start3A_8 = arith.constant 0 : i32
    %dma_start3A_9 = tpu.memref_slice %arg7[%dma_start3A_6, %dma_start3A_7, %dma_start3A_8] : memref<4x200x64xbf16, #tpu.memory_space<vmem>> -> memref<1x96x64xbf16, #tpu.memory_space<vmem>>
    %dma_start3A_10 = tpu.memref_squeeze %dma_start3A_9 : memref<1x96x64xbf16, #tpu.memory_space<vmem>> -> memref<96x64xbf16, #tpu.memory_space<vmem>>
    %dma_start3A_11 = arith.constant 0 : i32
    %dma_start3A_12 = tpu.memref_slice %arg6[%dma_start3A, %dma_start3A_11] : memref<256x200xi32, #tpu.memory_space<vmem>> -> memref<1x96xi32, #tpu.memory_space<vmem>>
    %dma_start3A_13 = tpu.memref_squeeze %dma_start3A_12 : memref<1x96xi32, #tpu.memory_space<vmem>> -> memref<96xi32, #tpu.memory_space<vmem>>
    %dma_start3A_14 = arith.constant 0 : i32
    %dma_start3A_15 = arith.constant 0 : i32
    %dma_start3A_16 = tpu.memref_slice %arg4[%dma_start3A_14, %dma_start3A_15] : memref<100000x64xbf16, #tpu.memory_space<hbm>> -> memref<100000x64xbf16, #tpu.memory_space<hbm>>
    tpu.enqueue_indirect_dma source(%dma_start3A_16 : memref<100000x64xbf16, #tpu.memory_space<hbm>>) target(%dma_start3A_10 : memref<96x64xbf16, #tpu.memory_space<vmem>>) offsets(%dma_start3A_13 : memref<96xi32, #tpu.memory_space<vmem>>) semaphore(%arg9 : memref<!tpu.dma_semaphore, #tpu.memory_space<semaphore_mem>>)
    %dma_start3A_17 = arith.constant 0 : i32
    %dma_start3A_18 = arith.constant 0 : i32
    %dma_start3A_19 = arith.constant 96 : i32
    %dma_start3A_20 = arith.constant 0 : i32
    %dma_start3A_21 = tpu.memref_slice %arg7[%dma_start3A_18, %dma_start3A_19, %dma_start3A_20] : memref<4x200x64xbf16, #tpu.memory_space<vmem>> -> memref<1x104x64xbf16, #tpu.memory_space<vmem>>
    %dma_start3A_22 = tpu.memref_squeeze %dma_start3A_21 : memref<1x104x64xbf16, #tpu.memory_space<vmem>> -> memref<104x64xbf16, #tpu.memory_space<vmem>>
    %dma_start3A_23 = arith.constant 96 : i32
    %dma_start3A_24 = tpu.memref_slice %arg6[%dma_start3A_17, %dma_start3A_23] : memref<256x200xi32, #tpu.memory_space<vmem>> -> memref<1x104xi32, #tpu.memory_space<vmem>>
    %dma_start3A_25 = tpu.memref_squeeze %dma_start3A_24 : memref<1x104xi32, #tpu.memory_space<vmem>> -> memref<104xi32, #tpu.memory_space<vmem>>
    %dma_start3A_26 = arith.constant 0 : i32
    %dma_start3A_27 = arith.constant 0 : i32
    %dma_start3A_28 = tpu.memref_slice %arg4[%dma_start3A_26, %dma_start3A_27] : memref<100000x64xbf16, #tpu.memory_space<hbm>> -> memref<100000x64xbf16, #tpu.memory_space<hbm>>
    tpu.enqueue_indirect_dma source(%dma_start3A_28 : memref<100000x64xbf16, #tpu.memory_space<hbm>>) target(%dma_start3A_22 : memref<104x64xbf16, #tpu.memory_space<vmem>>) offsets(%dma_start3A_25 : memref<104xi32, #tpu.memory_space<vmem>>) semaphore(%arg9 : memref<!tpu.dma_semaphore, #tpu.memory_space<semaphore_mem>>)
    %dma_start3A_29 = arith.constant 1 : i32
    %dma_start3A_30 = arith.constant 1 : i32
    %dma_start3A_31 = arith.constant 0 : i32
    %dma_start3A_32 = arith.constant 0 : i32
    %dma_start3A_33 = tpu.memref_slice %arg7[%dma_start3A_30, %dma_start3A_31, %dma_start3A_32] : memref<4x200x64xbf16, #tpu.memory_space<vmem>> -> memref<1x96x64xbf16, #tpu.memory_space<vmem>>
    %dma_start3A_34 = tpu.memref_squeeze %dma_start3A_33 : memref<1x96x64xbf16, #tpu.memory_space<vmem>> -> memref<96x64xbf16, #tpu.memory_space<vmem>>
    %dma_start3A_35 = arith.constant 0 : i32
    %dma_start3A_36 = tpu.memref_slice %arg6[%dma_start3A_29, %dma_start3A_35] : memref<256x200xi32, #tpu.memory_space<vmem>> -> memref<1x96xi32, #tpu.memory_space<vmem>>
    %dma_start3A_37 = tpu.memref_squeeze %dma_start3A_36 : memref<1x96xi32, #tpu.memory_space<vmem>> -> memref<96xi32, #tpu.memory_space<vmem>>
    %dma_start3A_38 = arith.constant 0 : i32
    %dma_start3A_39 = arith.constant 0 : i32
    %dma_start3A_40 = tpu.memref_slice %arg4[%dma_start3A_38, %dma_start3A_39] : memref<100000x64xbf16, #tpu.memory_space<hbm>> -> memref<100000x64xbf16, #tpu.memory_space<hbm>>
    tpu.enqueue_indirect_dma source(%dma_start3A_40 : memref<100000x64xbf16, #tpu.memory_space<hbm>>) target(%dma_start3A_34 : memref<96x64xbf16, #tpu.memory_space<vmem>>) offsets(%dma_start3A_37 : memref<96xi32, #tpu.memory_space<vmem>>) semaphore(%arg10 : memref<!tpu.dma_semaphore, #tpu.memory_space<semaphore_mem>>)
    %dma_start3A_41 = arith.constant 1 : i32
    %dma_start3A_42 = arith.constant 1 : i32
    %dma_start3A_43 = arith.constant 96 : i32
    %dma_start3A_44 = arith.constant 0 : i32
    %dma_start3A_45 = tpu.memref_slice %arg7[%dma_start3A_42, %dma_start3A_43, %dma_start3A_44] : memref<4x200x64xbf16, #tpu.memory_space<vmem>> -> memref<1x104x64xbf16, #tpu.memory_space<vmem>>
    %dma_start3A_46 = tpu.memref_squeeze %dma_start3A_45 : memref<1x104x64xbf16, #tpu.memory_space<vmem>> -> memref<104x64xbf16, #tpu.memory_space<vmem>>
    %dma_start3A_47 = arith.constant 96 : i32
    %dma_start3A_48 = tpu.memref_slice %arg6[%dma_start3A_41, %dma_start3A_47] : memref<256x200xi32, #tpu.memory_space<vmem>> -> memref<1x104xi32, #tpu.memory_space<vmem>>
    %dma_start3A_49 = tpu.memref_squeeze %dma_start3A_48 : memref<1x104xi32, #tpu.memory_space<vmem>> -> memref<104xi32, #tpu.memory_space<vmem>>
    %dma_start3A_50 = arith.constant 0 : i32
    %dma_start3A_51 = arith.constant 0 : i32
    %dma_start3A_52 = tpu.memref_slice %arg4[%dma_start3A_50, %dma_start3A_51] : memref<100000x64xbf16, #tpu.memory_space<hbm>> -> memref<100000x64xbf16, #tpu.memory_space<hbm>>
    tpu.enqueue_indirect_dma source(%dma_start3A_52 : memref<100000x64xbf16, #tpu.memory_space<hbm>>) target(%dma_start3A_46 : memref<104x64xbf16, #tpu.memory_space<vmem>>) offsets(%dma_start3A_49 : memref<104xi32, #tpu.memory_space<vmem>>) semaphore(%arg10 : memref<!tpu.dma_semaphore, #tpu.memory_space<semaphore_mem>>)
    %dma_start3A_53 = arith.constant 2 : i32
    %dma_start3A_54 = arith.constant 2 : i32
    %dma_start3A_55 = arith.constant 0 : i32
    %dma_start3A_56 = arith.constant 0 : i32
    %dma_start3A_57 = tpu.memref_slice %arg7[%dma_start3A_54, %dma_start3A_55, %dma_start3A_56] : memref<4x200x64xbf16, #tpu.memory_space<vmem>> -> memref<1x96x64xbf16, #tpu.memory_space<vmem>>
    %dma_start3A_58 = tpu.memref_squeeze %dma_start3A_57 : memref<1x96x64xbf16, #tpu.memory_space<vmem>> -> memref<96x64xbf16, #tpu.memory_space<vmem>>
    %dma_start3A_59 = arith.constant 0 : i32
    %dma_start3A_60 = tpu.memref_slice %arg6[%dma_start3A_53, %dma_start3A_59] : memref<256x200xi32, #tpu.memory_space<vmem>> -> memref<1x96xi32, #tpu.memory_space<vmem>>
    %dma_start3A_61 = tpu.memref_squeeze %dma_start3A_60 : memref<1x96xi32, #tpu.memory_space<vmem>> -> memref<96xi32, #tpu.memory_space<vmem>>
    %dma_start3A_62 = arith.constant 0 : i32
    %dma_start3A_63 = arith.constant 0 : i32
    %dma_start3A_64 = tpu.memref_slice %arg4[%dma_start3A_62, %dma_start3A_63] : memref<100000x64xbf16, #tpu.memory_space<hbm>> -> memref<100000x64xbf16, #tpu.memory_space<hbm>>
    tpu.enqueue_indirect_dma source(%dma_start3A_64 : memref<100000x64xbf16, #tpu.memory_space<hbm>>) target(%dma_start3A_58 : memref<96x64xbf16, #tpu.memory_space<vmem>>) offsets(%dma_start3A_61 : memref<96xi32, #tpu.memory_space<vmem>>) semaphore(%arg11 : memref<!tpu.dma_semaphore, #tpu.memory_space<semaphore_mem>>)
    %dma_start3A_65 = arith.constant 2 : i32
    %dma_start3A_66 = arith.constant 2 : i32
    %dma_start3A_67 = arith.constant 96 : i32
    %dma_start3A_68 = arith.constant 0 : i32
    %dma_start3A_69 = tpu.memref_slice %arg7[%dma_start3A_66, %dma_start3A_67, %dma_start3A_68] : memref<4x200x64xbf16, #tpu.memory_space<vmem>> -> memref<1x104x64xbf16, #tpu.memory_space<vmem>>
    %dma_start3A_70 = tpu.memref_squeeze %dma_start3A_69 : memref<1x104x64xbf16, #tpu.memory_space<vmem>> -> memref<104x64xbf16, #tpu.memory_space<vmem>>
    %dma_start3A_71 = arith.constant 96 : i32
    %dma_start3A_72 = tpu.memref_slice %arg6[%dma_start3A_65, %dma_start3A_71] : memref<256x200xi32, #tpu.memory_space<vmem>> -> memref<1x104xi32, #tpu.memory_space<vmem>>
    %dma_start3A_73 = tpu.memref_squeeze %dma_start3A_72 : memref<1x104xi32, #tpu.memory_space<vmem>> -> memref<104xi32, #tpu.memory_space<vmem>>
    %dma_start3A_74 = arith.constant 0 : i32
    %dma_start3A_75 = arith.constant 0 : i32
    %dma_start3A_76 = tpu.memref_slice %arg4[%dma_start3A_74, %dma_start3A_75] : memref<100000x64xbf16, #tpu.memory_space<hbm>> -> memref<100000x64xbf16, #tpu.memory_space<hbm>>
    tpu.enqueue_indirect_dma source(%dma_start3A_76 : memref<100000x64xbf16, #tpu.memory_space<hbm>>) target(%dma_start3A_70 : memref<104x64xbf16, #tpu.memory_space<vmem>>) offsets(%dma_start3A_73 : memref<104xi32, #tpu.memory_space<vmem>>) semaphore(%arg11 : memref<!tpu.dma_semaphore, #tpu.memory_space<semaphore_mem>>)
    %scan3A = arith.constant 0 : i32
    %scan3A_77 = arith.constant 0 : i32
    %scan3A_78 = arith.constant 64 : i32
    %scan3A_79 = arith.addi %scan3A_77, %scan3A_78 : i32
    %scan3A_80 = arith.constant 1 : i32
    scf.for %scan3A_82 = %scan3A_77 to %scan3A_79 step %scan3A_80  : i32 {
      %mul3A_83 = arith.constant 4 : i32
      %mul3A_84 = arith.muli %mul3A_83, %scan3A_82 : i32
      %add3A_85 = arith.constant 0 : i32
      %add3A_86 = arith.addi %mul3A_84, %add3A_85 : i32
      %dma_wait3A = arith.constant 0 : i32
      %dma_wait3A_87 = arith.constant 0 : i32
      %dma_wait3A_88 = arith.constant 0 : i32
      %dma_wait3A_89 = tpu.memref_slice %arg7[%dma_wait3A, %dma_wait3A_87, %dma_wait3A_88] : memref<4x200x64xbf16, #tpu.memory_space<vmem>> -> memref<1x200x64xbf16, #tpu.memory_space<vmem>>
      %dma_wait3A_90 = tpu.memref_squeeze %dma_wait3A_89 : memref<1x200x64xbf16, #tpu.memory_space<vmem>> -> memref<200x64xbf16, #tpu.memory_space<vmem>>
      %dma_wait3A_91 = arith.constant 0 : i32
      %dma_wait3A_92 = arith.constant 0 : i32
      %dma_wait3A_93 = tpu.memref_slice %arg4[%dma_wait3A_91, %dma_wait3A_92] : memref<100000x64xbf16, #tpu.memory_space<hbm>> -> memref<200x64xbf16, #tpu.memory_space<hbm>>
      %dma_wait3A_94 = arith.constant 0 : i32
      %dma_wait3A_95 = arith.constant 0 : i32
      %dma_wait3A_96 = tpu.memref_slice %arg7[%dma_wait3A, %dma_wait3A_94, %dma_wait3A_95] : memref<4x200x64xbf16, #tpu.memory_space<vmem>> -> memref<1x200x64xbf16, #tpu.memory_space<vmem>>
      %dma_wait3A_97 = tpu.memref_squeeze %dma_wait3A_96 : memref<1x200x64xbf16, #tpu.memory_space<vmem>> -> memref<200x64xbf16, #tpu.memory_space<vmem>>
      %dma_wait3A_98 = arith.constant 0 : i32
      %dma_wait3A_99 = arith.constant 0 : i32
      %dma_wait3A_100 = tpu.memref_slice %arg4[%dma_wait3A_98, %dma_wait3A_99] : memref<100000x64xbf16, #tpu.memory_space<hbm>> -> memref<200x64xbf16, #tpu.memory_space<hbm>>
      tpu.wait_dma2 semaphore(%arg9 : memref<!tpu.dma_semaphore, #tpu.memory_space<semaphore_mem>>) src(%dma_wait3A_100 : memref<200x64xbf16, #tpu.memory_space<hbm>>) dst(%dma_wait3A_97 : memref<200x64xbf16, #tpu.memory_space<vmem>>)
      %add3A_101 = arith.constant 3 : i32
      %add3A_102 = arith.addi %add3A_86, %add3A_101 : i32
      %lt3A = arith.constant 256 : i32
      %lt3A_103 = arith.cmpi slt, %add3A_102, %lt3A : i32
      %convert_element_type3A = arith.extui %lt3A_103 : i1 to i32
      %cond3A = arith.constant 0 : i32
      %cond3A_104 = arith.cmpi ne, %convert_element_type3A, %cond3A : i32
      scf.if %cond3A_104 {
        %add3A_426 = arith.constant 3 : i32
        %add3A_427 = arith.addi %add3A_86, %add3A_426 : i32
        %dma_start3A_428 = arith.constant 3 : i32
        %dma_start3A_429 = arith.constant 0 : i32
        %dma_start3A_430 = arith.constant 0 : i32
        %dma_start3A_431 = tpu.memref_slice %arg7[%dma_start3A_428, %dma_start3A_429, %dma_start3A_430] : memref<4x200x64xbf16, #tpu.memory_space<vmem>> -> memref<1x96x64xbf16, #tpu.memory_space<vmem>>
        %dma_start3A_432 = tpu.memref_squeeze %dma_start3A_431 : memref<1x96x64xbf16, #tpu.memory_space<vmem>> -> memref<96x64xbf16, #tpu.memory_space<vmem>>
        %dma_start3A_433 = arith.constant 0 : i32
        %dma_start3A_434 = tpu.memref_slice %arg6[%add3A_427, %dma_start3A_433] : memref<256x200xi32, #tpu.memory_space<vmem>> -> memref<1x96xi32, #tpu.memory_space<vmem>>
        %dma_start3A_435 = tpu.memref_squeeze %dma_start3A_434 : memref<1x96xi32, #tpu.memory_space<vmem>> -> memref<96xi32, #tpu.memory_space<vmem>>
        %dma_start3A_436 = arith.constant 0 : i32
        %dma_start3A_437 = arith.constant 0 : i32
        %dma_start3A_438 = tpu.memref_slice %arg4[%dma_start3A_436, %dma_start3A_437] : memref<100000x64xbf16, #tpu.memory_space<hbm>> -> memref<100000x64xbf16, #tpu.memory_space<hbm>>
        tpu.enqueue_indirect_dma source(%dma_start3A_438 : memref<100000x64xbf16, #tpu.memory_space<hbm>>) target(%dma_start3A_432 : memref<96x64xbf16, #tpu.memory_space<vmem>>) offsets(%dma_start3A_435 : memref<96xi32, #tpu.memory_space<vmem>>) semaphore(%arg12 : memref<!tpu.dma_semaphore, #tpu.memory_space<semaphore_mem>>)
        %dma_start3A_439 = arith.constant 3 : i32
        %dma_start3A_440 = arith.constant 96 : i32
        %dma_start3A_441 = arith.constant 0 : i32
        %dma_start3A_442 = tpu.memref_slice %arg7[%dma_start3A_439, %dma_start3A_440, %dma_start3A_441] : memref<4x200x64xbf16, #tpu.memory_space<vmem>> -> memref<1x104x64xbf16, #tpu.memory_space<vmem>>
        %dma_start3A_443 = tpu.memref_squeeze %dma_start3A_442 : memref<1x104x64xbf16, #tpu.memory_space<vmem>> -> memref<104x64xbf16, #tpu.memory_space<vmem>>
        %dma_start3A_444 = arith.constant 96 : i32
        %dma_start3A_445 = tpu.memref_slice %arg6[%add3A_427, %dma_start3A_444] : memref<256x200xi32, #tpu.memory_space<vmem>> -> memref<1x104xi32, #tpu.memory_space<vmem>>
        %dma_start3A_446 = tpu.memref_squeeze %dma_start3A_445 : memref<1x104xi32, #tpu.memory_space<vmem>> -> memref<104xi32, #tpu.memory_space<vmem>>
        %dma_start3A_447 = arith.constant 0 : i32
        %dma_start3A_448 = arith.constant 0 : i32
        %dma_start3A_449 = tpu.memref_slice %arg4[%dma_start3A_447, %dma_start3A_448] : memref<100000x64xbf16, #tpu.memory_space<hbm>> -> memref<100000x64xbf16, #tpu.memory_space<hbm>>
        tpu.enqueue_indirect_dma source(%dma_start3A_449 : memref<100000x64xbf16, #tpu.memory_space<hbm>>) target(%dma_start3A_443 : memref<104x64xbf16, #tpu.memory_space<vmem>>) offsets(%dma_start3A_446 : memref<104xi32, #tpu.memory_space<vmem>>) semaphore(%arg12 : memref<!tpu.dma_semaphore, #tpu.memory_space<semaphore_mem>>)
      } else {
      }
      %jit3A = arith.constant 128 : i32
      %div3A = arith.divsi %add3A_86, %jit3A : i32
      %sign3A = arith.constant 0 : i32
      %sign3A_105 = arith.cmpi sgt, %add3A_86, %sign3A : i32
      %sign3A_106 = arith.extui %sign3A_105 : i1 to i32
      %sign3A_107 = arith.constant 0 : i32
      %sign3A_108 = arith.cmpi slt, %add3A_86, %sign3A_107 : i32
      %sign3A_109 = arith.extui %sign3A_108 : i1 to i32
      %sign3A_110 = arith.subi %sign3A_106, %sign3A_109 : i32
      %sign3A_111 = arith.constant 0 : i32
      %sign3A_112 = arith.cmpi sgt, %jit3A, %sign3A_111 : i32
      %sign3A_113 = arith.extui %sign3A_112 : i1 to i32
      %sign3A_114 = arith.constant 0 : i32
      %sign3A_115 = arith.cmpi slt, %jit3A, %sign3A_114 : i32
      %sign3A_116 = arith.extui %sign3A_115 : i1 to i32
      %sign3A_117 = arith.subi %sign3A_113, %sign3A_116 : i32
      %ne3A = arith.cmpi ne, %sign3A_110, %sign3A_117 : i32
      %rem3A = arith.remsi %add3A_86, %jit3A : i32
      %ne3A_118 = arith.constant 0 : i32
      %ne3A_119 = arith.cmpi ne, %rem3A, %ne3A_118 : i32
      %and3A = arith.andi %ne3A, %ne3A_119 : i1
      %sub3A = arith.constant 1 : i32
      %sub3A_120 = arith.subi %div3A, %sub3A : i32
      %select_n3A = arith.select %and3A, %sub3A_120, %div3A : i32
      %mul3A_121 = arith.constant 128 : i32
      %mul3A_122 = arith.muli %select_n3A, %mul3A_121 : i32
      %sub3A_123 = arith.subi %add3A_86, %mul3A_122 : i32
      %mul3A_124 = arith.constant 64 : i32
      %mul3A_125 = arith.muli %select_n3A, %mul3A_124 : i32
      %broadcast_in_dim3A = arith.constant 0.000000e+00 : f32
      %broadcast_in_dim3A_126 = vector.broadcast %broadcast_in_dim3A : f32 to vector<16xf32>
      %scan3A_127 = arith.constant -65536 : i32
      %scan3A_128 = arith.constant 0 : i32
      %scan3A_129 = arith.constant 200 : i32
      %scan3A_130 = arith.addi %scan3A_128, %scan3A_129 : i32
      %scan3A_131 = arith.constant 8 : i32
      %scan3A_132:4 = scf.for %scan3A_426 = %scan3A_128 to %scan3A_130 step %scan3A_131 iter_args(%scan3A_427 = %broadcast_in_dim3A_126, %scan3A_428 = %broadcast_in_dim3A_126, %scan3A_429 = %broadcast_in_dim3A_126, %scan3A_430 = %broadcast_in_dim3A_126) -> (vector<16xf32>, vector<16xf32>, vector<16xf32>, vector<16xf32>)  : i32 {
        %get3A = arith.constant 0 : i32
        %get3A_431 = arith.index_cast %get3A : i32 to index
        %get3A_432 = arith.index_cast %scan3A_426 : i32 to index
        %get3A_433 = arith.constant 0 : index
        %get3A_434 = tpu.vector_load %arg7[%get3A_431, %get3A_432, %get3A_433] {strides = array<i32>} : memref<4x200x64xbf16, #tpu.memory_space<vmem>>, vector<32xbf16>,
        %bitcast3A = vector.bitcast %get3A_434 : vector<32xbf16> to vector<16xi32>
        %shift_left3A = arith.constant 16 : i32
        %shift_left3A_435 = vector.broadcast %shift_left3A : i32 to vector<16xi32>
        %shift_left3A_436 = arith.shli %bitcast3A, %shift_left3A_435 : vector<16xi32>
        %bitcast3A_437 = vector.bitcast %shift_left3A_436 : vector<16xi32> to vector<16xf32>
        %and3A_438 = vector.broadcast %scan3A_127 : i32 to vector<16xi32>
        %and3A_439 = arith.andi %bitcast3A, %and3A_438 : vector<16xi32>
        %bitcast3A_440 = vector.bitcast %and3A_439 : vector<16xi32> to vector<16xf32>
        %add3A_441 = arith.addf %scan3A_427, %bitcast3A_437 : vector<16xf32>
        %add3A_442 = arith.addf %scan3A_428, %bitcast3A_440 : vector<16xf32>
        %get3A_443 = arith.constant 0 : i32
        %get3A_444 = arith.index_cast %get3A_443 : i32 to index
        %get3A_445 = arith.index_cast %scan3A_426 : i32 to index
        %get3A_446 = arith.constant 32 : index
        %get3A_447 = tpu.vector_load %arg7[%get3A_444, %get3A_445, %get3A_446] {strides = array<i32>} : memref<4x200x64xbf16, #tpu.memory_space<vmem>>, vector<32xbf16>,
        %bitcast3A_448 = vector.bitcast %get3A_447 : vector<32xbf16> to vector<16xi32>
        %shift_left3A_449 = arith.constant 16 : i32
        %shift_left3A_450 = vector.broadcast %shift_left3A_449 : i32 to vector<16xi32>
        %shift_left3A_451 = arith.shli %bitcast3A_448, %shift_left3A_450 : vector<16xi32>
        %bitcast3A_452 = vector.bitcast %shift_left3A_451 : vector<16xi32> to vector<16xf32>
        %and3A_453 = vector.broadcast %scan3A_127 : i32 to vector<16xi32>
        %and3A_454 = arith.andi %bitcast3A_448, %and3A_453 : vector<16xi32>
        %bitcast3A_455 = vector.bitcast %and3A_454 : vector<16xi32> to vector<16xf32>
        %add3A_456 = arith.addf %scan3A_429, %bitcast3A_452 : vector<16xf32>
        %add3A_457 = arith.addf %scan3A_430, %bitcast3A_455 : vector<16xf32>
        %scan3A_458 = arith.constant 1 : i32
        %scan3A_459 = arith.addi %scan3A_426, %scan3A_458 : i32
        %get3A_460 = arith.constant 0 : i32
        %get3A_461 = arith.index_cast %get3A_460 : i32 to index
        %get3A_462 = arith.index_cast %scan3A_459 : i32 to index
        %get3A_463 = arith.constant 0 : index
        %get3A_464 = tpu.vector_load %arg7[%get3A_461, %get3A_462, %get3A_463] {strides = array<i32>} : memref<4x200x64xbf16, #tpu.memory_space<vmem>>, vector<32xbf16>,
        %bitcast3A_465 = vector.bitcast %get3A_464 : vector<32xbf16> to vector<16xi32>
        %shift_left3A_466 = arith.constant 16 : i32
        %shift_left3A_467 = vector.broadcast %shift_left3A_466 : i32 to vector<16xi32>
        %shift_left3A_468 = arith.shli %bitcast3A_465, %shift_left3A_467 : vector<16xi32>
        %bitcast3A_469 = vector.bitcast %shift_left3A_468 : vector<16xi32> to vector<16xf32>
        %and3A_470 = vector.broadcast %scan3A_127 : i32 to vector<16xi32>
        %and3A_471 = arith.andi %bitcast3A_465, %and3A_470 : vector<16xi32>
        %bitcast3A_472 = vector.bitcast %and3A_471 : vector<16xi32> to vector<16xf32>
        %add3A_473 = arith.addf %add3A_441, %bitcast3A_469 : vector<16xf32>
        %add3A_474 = arith.addf %add3A_442, %bitcast3A_472 : vector<16xf32>
        %get3A_475 = arith.constant 0 : i32
        %get3A_476 = arith.index_cast %get3A_475 : i32 to index
        %get3A_477 = arith.index_cast %scan3A_459 : i32 to index
        %get3A_478 = arith.constant 32 : index
        %get3A_479 = tpu.vector_load %arg7[%get3A_476, %get3A_477, %get3A_478] {strides = array<i32>} : memref<4x200x64xbf16, #tpu.memory_space<vmem>>, vector<32xbf16>,
        %bitcast3A_480 = vector.bitcast %get3A_479 : vector<32xbf16> to vector<16xi32>
        %shift_left3A_481 = arith.constant 16 : i32
        %shift_left3A_482 = vector.broadcast %shift_left3A_481 : i32 to vector<16xi32>
        %shift_left3A_483 = arith.shli %bitcast3A_480, %shift_left3A_482 : vector<16xi32>
        %bitcast3A_484 = vector.bitcast %shift_left3A_483 : vector<16xi32> to vector<16xf32>
        %and3A_485 = vector.broadcast %scan3A_127 : i32 to vector<16xi32>
        %and3A_486 = arith.andi %bitcast3A_480, %and3A_485 : vector<16xi32>
        %bitcast3A_487 = vector.bitcast %and3A_486 : vector<16xi32> to vector<16xf32>
        %add3A_488 = arith.addf %add3A_456, %bitcast3A_484 : vector<16xf32>
        %add3A_489 = arith.addf %add3A_457, %bitcast3A_487 : vector<16xf32>
        %scan3A_490 = arith.constant 2 : i32
        %scan3A_491 = arith.addi %scan3A_426, %scan3A_490 : i32
        %get3A_492 = arith.constant 0 : i32
        %get3A_493 = arith.index_cast %get3A_492 : i32 to index
        %get3A_494 = arith.index_cast %scan3A_491 : i32 to index
        %get3A_495 = arith.constant 0 : index
        %get3A_496 = tpu.vector_load %arg7[%get3A_493, %get3A_494, %get3A_495] {strides = array<i32>} : memref<4x200x64xbf16, #tpu.memory_space<vmem>>, vector<32xbf16>,
        %bitcast3A_497 = vector.bitcast %get3A_496 : vector<32xbf16> to vector<16xi32>
        %shift_left3A_498 = arith.constant 16 : i32
        %shift_left3A_499 = vector.broadcast %shift_left3A_498 : i32 to vector<16xi32>
        %shift_left3A_500 = arith.shli %bitcast3A_497, %shift_left3A_499 : vector<16xi32>
        %bitcast3A_501 = vector.bitcast %shift_left3A_500 : vector<16xi32> to vector<16xf32>
        %and3A_502 = vector.broadcast %scan3A_127 : i32 to vector<16xi32>
        %and3A_503 = arith.andi %bitcast3A_497, %and3A_502 : vector<16xi32>
        %bitcast3A_504 = vector.bitcast %and3A_503 : vector<16xi32> to vector<16xf32>
        %add3A_505 = arith.addf %add3A_473, %bitcast3A_501 : vector<16xf32>
        %add3A_506 = arith.addf %add3A_474, %bitcast3A_504 : vector<16xf32>
        %get3A_507 = arith.constant 0 : i32
        %get3A_508 = arith.index_cast %get3A_507 : i32 to index
        %get3A_509 = arith.index_cast %scan3A_491 : i32 to index
        %get3A_510 = arith.constant 32 : index
        %get3A_511 = tpu.vector_load %arg7[%get3A_508, %get3A_509, %get3A_510] {strides = array<i32>} : memref<4x200x64xbf16, #tpu.memory_space<vmem>>, vector<32xbf16>,
        %bitcast3A_512 = vector.bitcast %get3A_511 : vector<32xbf16> to vector<16xi32>
        %shift_left3A_513 = arith.constant 16 : i32
        %shift_left3A_514 = vector.broadcast %shift_left3A_513 : i32 to vector<16xi32>
        %shift_left3A_515 = arith.shli %bitcast3A_512, %shift_left3A_514 : vector<16xi32>
        %bitcast3A_516 = vector.bitcast %shift_left3A_515 : vector<16xi32> to vector<16xf32>
        %and3A_517 = vector.broadcast %scan3A_127 : i32 to vector<16xi32>
        %and3A_518 = arith.andi %bitcast3A_512, %and3A_517 : vector<16xi32>
        %bitcast3A_519 = vector.bitcast %and3A_518 : vector<16xi32> to vector<16xf32>
        %add3A_520 = arith.addf %add3A_488, %bitcast3A_516 : vector<16xf32>
        %add3A_521 = arith.addf %add3A_489, %bitcast3A_519 : vector<16xf32>
        %scan3A_522 = arith.constant 3 : i32
        %scan3A_523 = arith.addi %scan3A_426, %scan3A_522 : i32
        %get3A_524 = arith.constant 0 : i32
        %get3A_525 = arith.index_cast %get3A_524 : i32 to index
        %get3A_526 = arith.index_cast %scan3A_523 : i32 to index
        %get3A_527 = arith.constant 0 : index
        %get3A_528 = tpu.vector_load %arg7[%get3A_525, %get3A_526, %get3A_527] {strides = array<i32>} : memref<4x200x64xbf16, #tpu.memory_space<vmem>>, vector<32xbf16>,
        %bitcast3A_529 = vector.bitcast %get3A_528 : vector<32xbf16> to vector<16xi32>
        %shift_left3A_530 = arith.constant 16 : i32
        %shift_left3A_531 = vector.broadcast %shift_left3A_530 : i32 to vector<16xi32>
        %shift_left3A_532 = arith.shli %bitcast3A_529, %shift_left3A_531 : vector<16xi32>
        %bitcast3A_533 = vector.bitcast %shift_left3A_532 : vector<16xi32> to vector<16xf32>
        %and3A_534 = vector.broadcast %scan3A_127 : i32 to vector<16xi32>
        %and3A_535 = arith.andi %bitcast3A_529, %and3A_534 : vector<16xi32>
        %bitcast3A_536 = vector.bitcast %and3A_535 : vector<16xi32> to vector<16xf32>
        %add3A_537 = arith.addf %add3A_505, %bitcast3A_533 : vector<16xf32>
        %add3A_538 = arith.addf %add3A_506, %bitcast3A_536 : vector<16xf32>
        %get3A_539 = arith.constant 0 : i32
        %get3A_540 = arith.index_cast %get3A_539 : i32 to index
        %get3A_541 = arith.index_cast %scan3A_523 : i32 to index
        %get3A_542 = arith.constant 32 : index
        %get3A_543 = tpu.vector_load %arg7[%get3A_540, %get3A_541, %get3A_542] {strides = array<i32>} : memref<4x200x64xbf16, #tpu.memory_space<vmem>>, vector<32xbf16>,
        %bitcast3A_544 = vector.bitcast %get3A_543 : vector<32xbf16> to vector<16xi32>
        %shift_left3A_545 = arith.constant 16 : i32
        %shift_left3A_546 = vector.broadcast %shift_left3A_545 : i32 to vector<16xi32>
        %shift_left3A_547 = arith.shli %bitcast3A_544, %shift_left3A_546 : vector<16xi32>
        %bitcast3A_548 = vector.bitcast %shift_left3A_547 : vector<16xi32> to vector<16xf32>
        %and3A_549 = vector.broadcast %scan3A_127 : i32 to vector<16xi32>
        %and3A_550 = arith.andi %bitcast3A_544, %and3A_549 : vector<16xi32>
        %bitcast3A_551 = vector.bitcast %and3A_550 : vector<16xi32> to vector<16xf32>
        %add3A_552 = arith.addf %add3A_520, %bitcast3A_548 : vector<16xf32>
        %add3A_553 = arith.addf %add3A_521, %bitcast3A_551 : vector<16xf32>
        %scan3A_554 = arith.constant 4 : i32
        %scan3A_555 = arith.addi %scan3A_426, %scan3A_554 : i32
        %get3A_556 = arith.constant 0 : i32
        %get3A_557 = arith.index_cast %get3A_556 : i32 to index
        %get3A_558 = arith.index_cast %scan3A_555 : i32 to index
        %get3A_559 = arith.constant 0 : index
        %get3A_560 = tpu.vector_load %arg7[%get3A_557, %get3A_558, %get3A_559] {strides = array<i32>} : memref<4x200x64xbf16, #tpu.memory_space<vmem>>, vector<32xbf16>,
        %bitcast3A_561 = vector.bitcast %get3A_560 : vector<32xbf16> to vector<16xi32>
        %shift_left3A_562 = arith.constant 16 : i32
        %shift_left3A_563 = vector.broadcast %shift_left3A_562 : i32 to vector<16xi32>
        %shift_left3A_564 = arith.shli %bitcast3A_561, %shift_left3A_563 : vector<16xi32>
        %bitcast3A_565 = vector.bitcast %shift_left3A_564 : vector<16xi32> to vector<16xf32>
        %and3A_566 = vector.broadcast %scan3A_127 : i32 to vector<16xi32>
        %and3A_567 = arith.andi %bitcast3A_561, %and3A_566 : vector<16xi32>
        %bitcast3A_568 = vector.bitcast %and3A_567 : vector<16xi32> to vector<16xf32>
        %add3A_569 = arith.addf %add3A_537, %bitcast3A_565 : vector<16xf32>
        %add3A_570 = arith.addf %add3A_538, %bitcast3A_568 : vector<16xf32>
        %get3A_571 = arith.constant 0 : i32
        %get3A_572 = arith.index_cast %get3A_571 : i32 to index
        %get3A_573 = arith.index_cast %scan3A_555 : i32 to index
        %get3A_574 = arith.constant 32 : index
        %get3A_575 = tpu.vector_load %arg7[%get3A_572, %get3A_573, %get3A_574] {strides = array<i32>} : memref<4x200x64xbf16, #tpu.memory_space<vmem>>, vector<32xbf16>,
        %bitcast3A_576 = vector.bitcast %get3A_575 : vector<32xbf16> to vector<16xi32>
        %shift_left3A_577 = arith.constant 16 : i32
        %shift_left3A_578 = vector.broadcast %shift_left3A_577 : i32 to vector<16xi32>
        %shift_left3A_579 = arith.shli %bitcast3A_576, %shift_left3A_578 : vector<16xi32>
        %bitcast3A_580 = vector.bitcast %shift_left3A_579 : vector<16xi32> to vector<16xf32>
        %and3A_581 = vector.broadcast %scan3A_127 : i32 to vector<16xi32>
        %and3A_582 = arith.andi %bitcast3A_576, %and3A_581 : vector<16xi32>
        %bitcast3A_583 = vector.bitcast %and3A_582 : vector<16xi32> to vector<16xf32>
        %add3A_584 = arith.addf %add3A_552, %bitcast3A_580 : vector<16xf32>
        %add3A_585 = arith.addf %add3A_553, %bitcast3A_583 : vector<16xf32>
        %scan3A_586 = arith.constant 5 : i32
        %scan3A_587 = arith.addi %scan3A_426, %scan3A_586 : i32
        %get3A_588 = arith.constant 0 : i32
        %get3A_589 = arith.index_cast %get3A_588 : i32 to index
        %get3A_590 = arith.index_cast %scan3A_587 : i32 to index
        %get3A_591 = arith.constant 0 : index
        %get3A_592 = tpu.vector_load %arg7[%get3A_589, %get3A_590, %get3A_591] {strides = array<i32>} : memref<4x200x64xbf16, #tpu.memory_space<vmem>>, vector<32xbf16>,
        %bitcast3A_593 = vector.bitcast %get3A_592 : vector<32xbf16> to vector<16xi32>
        %shift_left3A_594 = arith.constant 16 : i32
        %shift_left3A_595 = vector.broadcast %shift_left3A_594 : i32 to vector<16xi32>
        %shift_left3A_596 = arith.shli %bitcast3A_593, %shift_left3A_595 : vector<16xi32>
        %bitcast3A_597 = vector.bitcast %shift_left3A_596 : vector<16xi32> to vector<16xf32>
        %and3A_598 = vector.broadcast %scan3A_127 : i32 to vector<16xi32>
        %and3A_599 = arith.andi %bitcast3A_593, %and3A_598 : vector<16xi32>
        %bitcast3A_600 = vector.bitcast %and3A_599 : vector<16xi32> to vector<16xf32>
        %add3A_601 = arith.addf %add3A_569, %bitcast3A_597 : vector<16xf32>
        %add3A_602 = arith.addf %add3A_570, %bitcast3A_600 : vector<16xf32>
        %get3A_603 = arith.constant 0 : i32
        %get3A_604 = arith.index_cast %get3A_603 : i32 to index
        %get3A_605 = arith.index_cast %scan3A_587 : i32 to index
        %get3A_606 = arith.constant 32 : index
        %get3A_607 = tpu.vector_load %arg7[%get3A_604, %get3A_605, %get3A_606] {strides = array<i32>} : memref<4x200x64xbf16, #tpu.memory_space<vmem>>, vector<32xbf16>,
        %bitcast3A_608 = vector.bitcast %get3A_607 : vector<32xbf16> to vector<16xi32>
        %shift_left3A_609 = arith.constant 16 : i32
        %shift_left3A_610 = vector.broadcast %shift_left3A_609 : i32 to vector<16xi32>
        %shift_left3A_611 = arith.shli %bitcast3A_608, %shift_left3A_610 : vector<16xi32>
        %bitcast3A_612 = vector.bitcast %shift_left3A_611 : vector<16xi32> to vector<16xf32>
        %and3A_613 = vector.broadcast %scan3A_127 : i32 to vector<16xi32>
        %and3A_614 = arith.andi %bitcast3A_608, %and3A_613 : vector<16xi32>
        %bitcast3A_615 = vector.bitcast %and3A_614 : vector<16xi32> to vector<16xf32>
        %add3A_616 = arith.addf %add3A_584, %bitcast3A_612 : vector<16xf32>
        %add3A_617 = arith.addf %add3A_585, %bitcast3A_615 : vector<16xf32>
        %scan3A_618 = arith.constant 6 : i32
        %scan3A_619 = arith.addi %scan3A_426, %scan3A_618 : i32
        %get3A_620 = arith.constant 0 : i32
        %get3A_621 = arith.index_cast %get3A_620 : i32 to index
        %get3A_622 = arith.index_cast %scan3A_619 : i32 to index
        %get3A_623 = arith.constant 0 : index
        %get3A_624 = tpu.vector_load %arg7[%get3A_621, %get3A_622, %get3A_623] {strides = array<i32>} : memref<4x200x64xbf16, #tpu.memory_space<vmem>>, vector<32xbf16>,
        %bitcast3A_625 = vector.bitcast %get3A_624 : vector<32xbf16> to vector<16xi32>
        %shift_left3A_626 = arith.constant 16 : i32
        %shift_left3A_627 = vector.broadcast %shift_left3A_626 : i32 to vector<16xi32>
        %shift_left3A_628 = arith.shli %bitcast3A_625, %shift_left3A_627 : vector<16xi32>
        %bitcast3A_629 = vector.bitcast %shift_left3A_628 : vector<16xi32> to vector<16xf32>
        %and3A_630 = vector.broadcast %scan3A_127 : i32 to vector<16xi32>
        %and3A_631 = arith.andi %bitcast3A_625, %and3A_630 : vector<16xi32>
        %bitcast3A_632 = vector.bitcast %and3A_631 : vector<16xi32> to vector<16xf32>
        %add3A_633 = arith.addf %add3A_601, %bitcast3A_629 : vector<16xf32>
        %add3A_634 = arith.addf %add3A_602, %bitcast3A_632 : vector<16xf32>
        %get3A_635 = arith.constant 0 : i32
        %get3A_636 = arith.index_cast %get3A_635 : i32 to index
        %get3A_637 = arith.index_cast %scan3A_619 : i32 to index
        %get3A_638 = arith.constant 32 : index
        %get3A_639 = tpu.vector_load %arg7[%get3A_636, %get3A_637, %get3A_638] {strides = array<i32>} : memref<4x200x64xbf16, #tpu.memory_space<vmem>>, vector<32xbf16>,
        %bitcast3A_640 = vector.bitcast %get3A_639 : vector<32xbf16> to vector<16xi32>
        %shift_left3A_641 = arith.constant 16 : i32
        %shift_left3A_642 = vector.broadcast %shift_left3A_641 : i32 to vector<16xi32>
        %shift_left3A_643 = arith.shli %bitcast3A_640, %shift_left3A_642 : vector<16xi32>
        %bitcast3A_644 = vector.bitcast %shift_left3A_643 : vector<16xi32> to vector<16xf32>
        %and3A_645 = vector.broadcast %scan3A_127 : i32 to vector<16xi32>
        %and3A_646 = arith.andi %bitcast3A_640, %and3A_645 : vector<16xi32>
        %bitcast3A_647 = vector.bitcast %and3A_646 : vector<16xi32> to vector<16xf32>
        %add3A_648 = arith.addf %add3A_616, %bitcast3A_644 : vector<16xf32>
        %add3A_649 = arith.addf %add3A_617, %bitcast3A_647 : vector<16xf32>
        %scan3A_650 = arith.constant 7 : i32
        %scan3A_651 = arith.addi %scan3A_426, %scan3A_650 : i32
        %get3A_652 = arith.constant 0 : i32
        %get3A_653 = arith.index_cast %get3A_652 : i32 to index
        %get3A_654 = arith.index_cast %scan3A_651 : i32 to index
        %get3A_655 = arith.constant 0 : index
        %get3A_656 = tpu.vector_load %arg7[%get3A_653, %get3A_654, %get3A_655] {strides = array<i32>} : memref<4x200x64xbf16, #tpu.memory_space<vmem>>, vector<32xbf16>,
        %bitcast3A_657 = vector.bitcast %get3A_656 : vector<32xbf16> to vector<16xi32>
        %shift_left3A_658 = arith.constant 16 : i32
        %shift_left3A_659 = vector.broadcast %shift_left3A_658 : i32 to vector<16xi32>
        %shift_left3A_660 = arith.shli %bitcast3A_657, %shift_left3A_659 : vector<16xi32>
        %bitcast3A_661 = vector.bitcast %shift_left3A_660 : vector<16xi32> to vector<16xf32>
        %and3A_662 = vector.broadcast %scan3A_127 : i32 to vector<16xi32>
        %and3A_663 = arith.andi %bitcast3A_657, %and3A_662 : vector<16xi32>
        %bitcast3A_664 = vector.bitcast %and3A_663 : vector<16xi32> to vector<16xf32>
        %add3A_665 = arith.addf %add3A_633, %bitcast3A_661 : vector<16xf32>
        %add3A_666 = arith.addf %add3A_634, %bitcast3A_664 : vector<16xf32>
        %get3A_667 = arith.constant 0 : i32
        %get3A_668 = arith.index_cast %get3A_667 : i32 to index
        %get3A_669 = arith.index_cast %scan3A_651 : i32 to index
        %get3A_670 = arith.constant 32 : index
        %get3A_671 = tpu.vector_load %arg7[%get3A_668, %get3A_669, %get3A_670] {strides = array<i32>} : memref<4x200x64xbf16, #tpu.memory_space<vmem>>, vector<32xbf16>,
        %bitcast3A_672 = vector.bitcast %get3A_671 : vector<32xbf16> to vector<16xi32>
        %shift_left3A_673 = arith.constant 16 : i32
        %shift_left3A_674 = vector.broadcast %shift_left3A_673 : i32 to vector<16xi32>
        %shift_left3A_675 = arith.shli %bitcast3A_672, %shift_left3A_674 : vector<16xi32>
        %bitcast3A_676 = vector.bitcast %shift_left3A_675 : vector<16xi32> to vector<16xf32>
        %and3A_677 = vector.broadcast %scan3A_127 : i32 to vector<16xi32>
        %and3A_678 = arith.andi %bitcast3A_672, %and3A_677 : vector<16xi32>
        %bitcast3A_679 = vector.bitcast %and3A_678 : vector<16xi32> to vector<16xf32>
        %add3A_680 = arith.addf %add3A_648, %bitcast3A_676 : vector<16xf32>
        %add3A_681 = arith.addf %add3A_649, %bitcast3A_679 : vector<16xf32>
        scf.yield %add3A_665, %add3A_666, %add3A_680, %add3A_681 : vector<16xf32>, vector<16xf32>, vector<16xf32>, vector<16xf32>
      }
      %scan3A_133 = arith.constant 200 : i32
      %broadcast_in_dim3A_134 = vector.broadcast %sub3A_123 : i32 to vector<16xi32>
      %add3A_135 = arith.constant 0 : i32
      %add3A_136 = arith.addi %mul3A_125, %add3A_135 : i32
      %add3A_137 = arith.constant 0 : i32
      %add3A_138 = arith.addi %add3A_136, %add3A_137 : i32
      %add3A_139 = vector.broadcast %add3A_138 : i32 to vector<16xi32>
      %add3A_140 = arith.addi %mul3A_5, %add3A_139 : vector<16xi32>
      tpu.vector_store_idx %arg8[%broadcast_in_dim3A_134, %add3A_140], %scan3A_132#0 : memref<128x128xf32, #tpu.memory_space<vmem>>[vector<16xi32>, vector<16xi32>], vector<16xf32>,
      %add3A_141 = arith.constant 0 : i32
      %add3A_142 = arith.addi %mul3A_125, %add3A_141 : i32
      %add3A_143 = arith.constant 1 : i32
      %add3A_144 = arith.addi %add3A_142, %add3A_143 : i32
      %add3A_145 = vector.broadcast %add3A_144 : i32 to vector<16xi32>
      %add3A_146 = arith.addi %mul3A_5, %add3A_145 : vector<16xi32>
      tpu.vector_store_idx %arg8[%broadcast_in_dim3A_134, %add3A_146], %scan3A_132#1 : memref<128x128xf32, #tpu.memory_space<vmem>>[vector<16xi32>, vector<16xi32>], vector<16xf32>,
      %add3A_147 = arith.constant 32 : i32
      %add3A_148 = arith.addi %mul3A_125, %add3A_147 : i32
      %add3A_149 = arith.constant 0 : i32
      %add3A_150 = arith.addi %add3A_148, %add3A_149 : i32
      %add3A_151 = vector.broadcast %add3A_150 : i32 to vector<16xi32>
      %add3A_152 = arith.addi %mul3A_5, %add3A_151 : vector<16xi32>
      tpu.vector_store_idx %arg8[%broadcast_in_dim3A_134, %add3A_152], %scan3A_132#2 : memref<128x128xf32, #tpu.memory_space<vmem>>[vector<16xi32>, vector<16xi32>], vector<16xf32>,
      %add3A_153 = arith.constant 32 : i32
      %add3A_154 = arith.addi %mul3A_125, %add3A_153 : i32
      %add3A_155 = arith.constant 1 : i32
      %add3A_156 = arith.addi %add3A_154, %add3A_155 : i32
      %add3A_157 = vector.broadcast %add3A_156 : i32 to vector<16xi32>
      %add3A_158 = arith.addi %mul3A_5, %add3A_157 : vector<16xi32>
      tpu.vector_store_idx %arg8[%broadcast_in_dim3A_134, %add3A_158], %scan3A_132#3 : memref<128x128xf32, #tpu.memory_space<vmem>>[vector<16xi32>, vector<16xi32>], vector<16xf32>,
      %mul3A_159 = arith.constant 4 : i32
      %mul3A_160 = arith.muli %mul3A_159, %scan3A_82 : i32
      %add3A_161 = arith.constant 1 : i32
      %add3A_162 = arith.addi %mul3A_160, %add3A_161 : i32
      %dma_wait3A_163 = arith.constant 1 : i32
      %dma_wait3A_164 = arith.constant 0 : i32
      %dma_wait3A_165 = arith.constant 0 : i32
      %dma_wait3A_166 = tpu.memref_slice %arg7[%dma_wait3A_163, %dma_wait3A_164, %dma_wait3A_165] : memref<4x200x64xbf16, #tpu.memory_space<vmem>> -> memref<1x200x64xbf16, #tpu.memory_space<vmem>>
      %dma_wait3A_167 = tpu.memref_squeeze %dma_wait3A_166 : memref<1x200x64xbf16, #tpu.memory_space<vmem>> -> memref<200x64xbf16, #tpu.memory_space<vmem>>
      %dma_wait3A_168 = arith.constant 0 : i32
      %dma_wait3A_169 = arith.constant 0 : i32
      %dma_wait3A_170 = tpu.memref_slice %arg4[%dma_wait3A_168, %dma_wait3A_169] : memref<100000x64xbf16, #tpu.memory_space<hbm>> -> memref<200x64xbf16, #tpu.memory_space<hbm>>
      %dma_wait3A_171 = arith.constant 0 : i32
      %dma_wait3A_172 = arith.constant 0 : i32
      %dma_wait3A_173 = tpu.memref_slice %arg7[%dma_wait3A_163, %dma_wait3A_171, %dma_wait3A_172] : memref<4x200x64xbf16, #tpu.memory_space<vmem>> -> memref<1x200x64xbf16, #tpu.memory_space<vmem>>
      %dma_wait3A_174 = tpu.memref_squeeze %dma_wait3A_173 : memref<1x200x64xbf16, #tpu.memory_space<vmem>> -> memref<200x64xbf16, #tpu.memory_space<vmem>>
      %dma_wait3A_175 = arith.constant 0 : i32
      %dma_wait3A_176 = arith.constant 0 : i32
      %dma_wait3A_177 = tpu.memref_slice %arg4[%dma_wait3A_175, %dma_wait3A_176] : memref<100000x64xbf16, #tpu.memory_space<hbm>> -> memref<200x64xbf16, #tpu.memory_space<hbm>>
      tpu.wait_dma2 semaphore(%arg10 : memref<!tpu.dma_semaphore, #tpu.memory_space<semaphore_mem>>) src(%dma_wait3A_177 : memref<200x64xbf16, #tpu.memory_space<hbm>>) dst(%dma_wait3A_174 : memref<200x64xbf16, #tpu.memory_space<vmem>>)
      %add3A_178 = arith.constant 3 : i32
      %add3A_179 = arith.addi %add3A_162, %add3A_178 : i32
      %lt3A_180 = arith.constant 256 : i32
      %lt3A_181 = arith.cmpi slt, %add3A_179, %lt3A_180 : i32
      %convert_element_type3A_182 = arith.extui %lt3A_181 : i1 to i32
      %cond3A_183 = arith.constant 0 : i32
      %cond3A_184 = arith.cmpi ne, %convert_element_type3A_182, %cond3A_183 : i32
      scf.if %cond3A_184 {
        %add3A_426 = arith.constant 3 : i32
        %add3A_427 = arith.addi %add3A_162, %add3A_426 : i32
        %dma_start3A_428 = arith.constant 0 : i32
        %dma_start3A_429 = arith.constant 0 : i32
        %dma_start3A_430 = arith.constant 0 : i32
        %dma_start3A_431 = tpu.memref_slice %arg7[%dma_start3A_428, %dma_start3A_429, %dma_start3A_430] : memref<4x200x64xbf16, #tpu.memory_space<vmem>> -> memref<1x96x64xbf16, #tpu.memory_space<vmem>>
        %dma_start3A_432 = tpu.memref_squeeze %dma_start3A_431 : memref<1x96x64xbf16, #tpu.memory_space<vmem>> -> memref<96x64xbf16, #tpu.memory_space<vmem>>
        %dma_start3A_433 = arith.constant 0 : i32
        %dma_start3A_434 = tpu.memref_slice %arg6[%add3A_427, %dma_start3A_433] : memref<256x200xi32, #tpu.memory_space<vmem>> -> memref<1x96xi32, #tpu.memory_space<vmem>>
        %dma_start3A_435 = tpu.memref_squeeze %dma_start3A_434 : memref<1x96xi32, #tpu.memory_space<vmem>> -> memref<96xi32, #tpu.memory_space<vmem>>
        %dma_start3A_436 = arith.constant 0 : i32
        %dma_start3A_437 = arith.constant 0 : i32
        %dma_start3A_438 = tpu.memref_slice %arg4[%dma_start3A_436, %dma_start3A_437] : memref<100000x64xbf16, #tpu.memory_space<hbm>> -> memref<100000x64xbf16, #tpu.memory_space<hbm>>
        tpu.enqueue_indirect_dma source(%dma_start3A_438 : memref<100000x64xbf16, #tpu.memory_space<hbm>>) target(%dma_start3A_432 : memref<96x64xbf16, #tpu.memory_space<vmem>>) offsets(%dma_start3A_435 : memref<96xi32, #tpu.memory_space<vmem>>) semaphore(%arg9 : memref<!tpu.dma_semaphore, #tpu.memory_space<semaphore_mem>>)
        %dma_start3A_439 = arith.constant 0 : i32
        %dma_start3A_440 = arith.constant 96 : i32
        %dma_start3A_441 = arith.constant 0 : i32
        %dma_start3A_442 = tpu.memref_slice %arg7[%dma_start3A_439, %dma_start3A_440, %dma_start3A_441] : memref<4x200x64xbf16, #tpu.memory_space<vmem>> -> memref<1x104x64xbf16, #tpu.memory_space<vmem>>
        %dma_start3A_443 = tpu.memref_squeeze %dma_start3A_442 : memref<1x104x64xbf16, #tpu.memory_space<vmem>> -> memref<104x64xbf16, #tpu.memory_space<vmem>>
        %dma_start3A_444 = arith.constant 96 : i32
        %dma_start3A_445 = tpu.memref_slice %arg6[%add3A_427, %dma_start3A_444] : memref<256x200xi32, #tpu.memory_space<vmem>> -> memref<1x104xi32, #tpu.memory_space<vmem>>
        %dma_start3A_446 = tpu.memref_squeeze %dma_start3A_445 : memref<1x104xi32, #tpu.memory_space<vmem>> -> memref<104xi32, #tpu.memory_space<vmem>>
        %dma_start3A_447 = arith.constant 0 : i32
        %dma_start3A_448 = arith.constant 0 : i32
        %dma_start3A_449 = tpu.memref_slice %arg4[%dma_start3A_447, %dma_start3A_448] : memref<100000x64xbf16, #tpu.memory_space<hbm>> -> memref<100000x64xbf16, #tpu.memory_space<hbm>>
        tpu.enqueue_indirect_dma source(%dma_start3A_449 : memref<100000x64xbf16, #tpu.memory_space<hbm>>) target(%dma_start3A_443 : memref<104x64xbf16, #tpu.memory_space<vmem>>) offsets(%dma_start3A_446 : memref<104xi32, #tpu.memory_space<vmem>>) semaphore(%arg9 : memref<!tpu.dma_semaphore, #tpu.memory_space<semaphore_mem>>)
      } else {
      }
      %jit3A_185 = arith.constant 128 : i32
      %div3A_186 = arith.divsi %add3A_162, %jit3A_185 : i32
      %sign3A_187 = arith.constant 0 : i32
      %sign3A_188 = arith.cmpi sgt, %add3A_162, %sign3A_187 : i32
      %sign3A_189 = arith.extui %sign3A_188 : i1 to i32
      %sign3A_190 = arith.constant 0 : i32
      %sign3A_191 = arith.cmpi slt, %add3A_162, %sign3A_190 : i32
      %sign3A_192 = arith.extui %sign3A_191 : i1 to i32
      %sign3A_193 = arith.subi %sign3A_189, %sign3A_192 : i32
      %sign3A_194 = arith.constant 0 : i32
      %sign3A_195 = arith.cmpi sgt, %jit3A_185, %sign3A_194 : i32
      %sign3A_196 = arith.extui %sign3A_195 : i1 to i32
      %sign3A_197 = arith.constant 0 : i32
      %sign3A_198 = arith.cmpi slt, %jit3A_185, %sign3A_197 : i32
      %sign3A_199 = arith.extui %sign3A_198 : i1 to i32
      %sign3A_200 = arith.subi %sign3A_196, %sign3A_199 : i32
      %ne3A_201 = arith.cmpi ne, %sign3A_193, %sign3A_200 : i32
      %rem3A_202 = arith.remsi %add3A_162, %jit3A_185 : i32
      %ne3A_203 = arith.constant 0 : i32
      %ne3A_204 = arith.cmpi ne, %rem3A_202, %ne3A_203 : i32
      %and3A_205 = arith.andi %ne3A_201, %ne3A_204 : i1
      %sub3A_206 = arith.constant 1 : i32
      %sub3A_207 = arith.subi %div3A_186, %sub3A_206 : i32
      %select_n3A_208 = arith.select %and3A_205, %sub3A_207, %div3A_186 : i32
      %mul3A_209 = arith.constant 128 : i32
      %mul3A_210 = arith.muli %select_n3A_208, %mul3A_209 : i32
      %sub3A_211 = arith.subi %add3A_162, %mul3A_210 : i32
      %mul3A_212 = arith.constant 64 : i32
      %mul3A_213 = arith.muli %select_n3A_208, %mul3A_212 : i32
      %broadcast_in_dim3A_214 = arith.constant 0.000000e+00 : f32
      %broadcast_in_dim3A_215 = vector.broadcast %broadcast_in_dim3A_214 : f32 to vector<16xf32>
      %scan3A_216 = arith.constant -65536 : i32
      %scan3A_217 = arith.constant 0 : i32
      %scan3A_218 = arith.constant 200 : i32
      %scan3A_219 = arith.addi %scan3A_217, %scan3A_218 : i32
      %scan3A_220 = arith.constant 8 : i32
      %scan3A_221:4 = scf.for %scan3A_426 = %scan3A_217 to %scan3A_219 step %scan3A_220 iter_args(%scan3A_427 = %broadcast_in_dim3A_215, %scan3A_428 = %broadcast_in_dim3A_215, %scan3A_429 = %broadcast_in_dim3A_215, %scan3A_430 = %broadcast_in_dim3A_215) -> (vector<16xf32>, vector<16xf32>, vector<16xf32>, vector<16xf32>)  : i32 {
        %get3A = arith.constant 1 : i32
        %get3A_431 = arith.index_cast %get3A : i32 to index
        %get3A_432 = arith.index_cast %scan3A_426 : i32 to index
        %get3A_433 = arith.constant 0 : index
        %get3A_434 = tpu.vector_load %arg7[%get3A_431, %get3A_432, %get3A_433] {strides = array<i32>} : memref<4x200x64xbf16, #tpu.memory_space<vmem>>, vector<32xbf16>,
        %bitcast3A = vector.bitcast %get3A_434 : vector<32xbf16> to vector<16xi32>
        %shift_left3A = arith.constant 16 : i32
        %shift_left3A_435 = vector.broadcast %shift_left3A : i32 to vector<16xi32>
        %shift_left3A_436 = arith.shli %bitcast3A, %shift_left3A_435 : vector<16xi32>
        %bitcast3A_437 = vector.bitcast %shift_left3A_436 : vector<16xi32> to vector<16xf32>
        %and3A_438 = vector.broadcast %scan3A_216 : i32 to vector<16xi32>
        %and3A_439 = arith.andi %bitcast3A, %and3A_438 : vector<16xi32>
        %bitcast3A_440 = vector.bitcast %and3A_439 : vector<16xi32> to vector<16xf32>
        %add3A_441 = arith.addf %scan3A_427, %bitcast3A_437 : vector<16xf32>
        %add3A_442 = arith.addf %scan3A_428, %bitcast3A_440 : vector<16xf32>
        %get3A_443 = arith.constant 1 : i32
        %get3A_444 = arith.index_cast %get3A_443 : i32 to index
        %get3A_445 = arith.index_cast %scan3A_426 : i32 to index
        %get3A_446 = arith.constant 32 : index
        %get3A_447 = tpu.vector_load %arg7[%get3A_444, %get3A_445, %get3A_446] {strides = array<i32>} : memref<4x200x64xbf16, #tpu.memory_space<vmem>>, vector<32xbf16>,
        %bitcast3A_448 = vector.bitcast %get3A_447 : vector<32xbf16> to vector<16xi32>
        %shift_left3A_449 = arith.constant 16 : i32
        %shift_left3A_450 = vector.broadcast %shift_left3A_449 : i32 to vector<16xi32>
        %shift_left3A_451 = arith.shli %bitcast3A_448, %shift_left3A_450 : vector<16xi32>
        %bitcast3A_452 = vector.bitcast %shift_left3A_451 : vector<16xi32> to vector<16xf32>
        %and3A_453 = vector.broadcast %scan3A_216 : i32 to vector<16xi32>
        %and3A_454 = arith.andi %bitcast3A_448, %and3A_453 : vector<16xi32>
        %bitcast3A_455 = vector.bitcast %and3A_454 : vector<16xi32> to vector<16xf32>
        %add3A_456 = arith.addf %scan3A_429, %bitcast3A_452 : vector<16xf32>
        %add3A_457 = arith.addf %scan3A_430, %bitcast3A_455 : vector<16xf32>
        %scan3A_458 = arith.constant 1 : i32
        %scan3A_459 = arith.addi %scan3A_426, %scan3A_458 : i32
        %get3A_460 = arith.constant 1 : i32
        %get3A_461 = arith.index_cast %get3A_460 : i32 to index
        %get3A_462 = arith.index_cast %scan3A_459 : i32 to index
        %get3A_463 = arith.constant 0 : index
        %get3A_464 = tpu.vector_load %arg7[%get3A_461, %get3A_462, %get3A_463] {strides = array<i32>} : memref<4x200x64xbf16, #tpu.memory_space<vmem>>, vector<32xbf16>,
        %bitcast3A_465 = vector.bitcast %get3A_464 : vector<32xbf16> to vector<16xi32>
        %shift_left3A_466 = arith.constant 16 : i32
        %shift_left3A_467 = vector.broadcast %shift_left3A_466 : i32 to vector<16xi32>
        %shift_left3A_468 = arith.shli %bitcast3A_465, %shift_left3A_467 : vector<16xi32>
        %bitcast3A_469 = vector.bitcast %shift_left3A_468 : vector<16xi32> to vector<16xf32>
        %and3A_470 = vector.broadcast %scan3A_216 : i32 to vector<16xi32>
        %and3A_471 = arith.andi %bitcast3A_465, %and3A_470 : vector<16xi32>
        %bitcast3A_472 = vector.bitcast %and3A_471 : vector<16xi32> to vector<16xf32>
        %add3A_473 = arith.addf %add3A_441, %bitcast3A_469 : vector<16xf32>
        %add3A_474 = arith.addf %add3A_442, %bitcast3A_472 : vector<16xf32>
        %get3A_475 = arith.constant 1 : i32
        %get3A_476 = arith.index_cast %get3A_475 : i32 to index
        %get3A_477 = arith.index_cast %scan3A_459 : i32 to index
        %get3A_478 = arith.constant 32 : index
        %get3A_479 = tpu.vector_load %arg7[%get3A_476, %get3A_477, %get3A_478] {strides = array<i32>} : memref<4x200x64xbf16, #tpu.memory_space<vmem>>, vector<32xbf16>,
        %bitcast3A_480 = vector.bitcast %get3A_479 : vector<32xbf16> to vector<16xi32>
        %shift_left3A_481 = arith.constant 16 : i32
        %shift_left3A_482 = vector.broadcast %shift_left3A_481 : i32 to vector<16xi32>
        %shift_left3A_483 = arith.shli %bitcast3A_480, %shift_left3A_482 : vector<16xi32>
        %bitcast3A_484 = vector.bitcast %shift_left3A_483 : vector<16xi32> to vector<16xf32>
        %and3A_485 = vector.broadcast %scan3A_216 : i32 to vector<16xi32>
        %and3A_486 = arith.andi %bitcast3A_480, %and3A_485 : vector<16xi32>
        %bitcast3A_487 = vector.bitcast %and3A_486 : vector<16xi32> to vector<16xf32>
        %add3A_488 = arith.addf %add3A_456, %bitcast3A_484 : vector<16xf32>
        %add3A_489 = arith.addf %add3A_457, %bitcast3A_487 : vector<16xf32>
        %scan3A_490 = arith.constant 2 : i32
        %scan3A_491 = arith.addi %scan3A_426, %scan3A_490 : i32
        %get3A_492 = arith.constant 1 : i32
        %get3A_493 = arith.index_cast %get3A_492 : i32 to index
        %get3A_494 = arith.index_cast %scan3A_491 : i32 to index
        %get3A_495 = arith.constant 0 : index
        %get3A_496 = tpu.vector_load %arg7[%get3A_493, %get3A_494, %get3A_495] {strides = array<i32>} : memref<4x200x64xbf16, #tpu.memory_space<vmem>>, vector<32xbf16>,
        %bitcast3A_497 = vector.bitcast %get3A_496 : vector<32xbf16> to vector<16xi32>
        %shift_left3A_498 = arith.constant 16 : i32
        %shift_left3A_499 = vector.broadcast %shift_left3A_498 : i32 to vector<16xi32>
        %shift_left3A_500 = arith.shli %bitcast3A_497, %shift_left3A_499 : vector<16xi32>
        %bitcast3A_501 = vector.bitcast %shift_left3A_500 : vector<16xi32> to vector<16xf32>
        %and3A_502 = vector.broadcast %scan3A_216 : i32 to vector<16xi32>
        %and3A_503 = arith.andi %bitcast3A_497, %and3A_502 : vector<16xi32>
        %bitcast3A_504 = vector.bitcast %and3A_503 : vector<16xi32> to vector<16xf32>
        %add3A_505 = arith.addf %add3A_473, %bitcast3A_501 : vector<16xf32>
        %add3A_506 = arith.addf %add3A_474, %bitcast3A_504 : vector<16xf32>
        %get3A_507 = arith.constant 1 : i32
        %get3A_508 = arith.index_cast %get3A_507 : i32 to index
        %get3A_509 = arith.index_cast %scan3A_491 : i32 to index
        %get3A_510 = arith.constant 32 : index
        %get3A_511 = tpu.vector_load %arg7[%get3A_508, %get3A_509, %get3A_510] {strides = array<i32>} : memref<4x200x64xbf16, #tpu.memory_space<vmem>>, vector<32xbf16>,
        %bitcast3A_512 = vector.bitcast %get3A_511 : vector<32xbf16> to vector<16xi32>
        %shift_left3A_513 = arith.constant 16 : i32
        %shift_left3A_514 = vector.broadcast %shift_left3A_513 : i32 to vector<16xi32>
        %shift_left3A_515 = arith.shli %bitcast3A_512, %shift_left3A_514 : vector<16xi32>
        %bitcast3A_516 = vector.bitcast %shift_left3A_515 : vector<16xi32> to vector<16xf32>
        %and3A_517 = vector.broadcast %scan3A_216 : i32 to vector<16xi32>
        %and3A_518 = arith.andi %bitcast3A_512, %and3A_517 : vector<16xi32>
        %bitcast3A_519 = vector.bitcast %and3A_518 : vector<16xi32> to vector<16xf32>
        %add3A_520 = arith.addf %add3A_488, %bitcast3A_516 : vector<16xf32>
        %add3A_521 = arith.addf %add3A_489, %bitcast3A_519 : vector<16xf32>
        %scan3A_522 = arith.constant 3 : i32
        %scan3A_523 = arith.addi %scan3A_426, %scan3A_522 : i32
        %get3A_524 = arith.constant 1 : i32
        %get3A_525 = arith.index_cast %get3A_524 : i32 to index
        %get3A_526 = arith.index_cast %scan3A_523 : i32 to index
        %get3A_527 = arith.constant 0 : index
        %get3A_528 = tpu.vector_load %arg7[%get3A_525, %get3A_526, %get3A_527] {strides = array<i32>} : memref<4x200x64xbf16, #tpu.memory_space<vmem>>, vector<32xbf16>,
        %bitcast3A_529 = vector.bitcast %get3A_528 : vector<32xbf16> to vector<16xi32>
        %shift_left3A_530 = arith.constant 16 : i32
        %shift_left3A_531 = vector.broadcast %shift_left3A_530 : i32 to vector<16xi32>
        %shift_left3A_532 = arith.shli %bitcast3A_529, %shift_left3A_531 : vector<16xi32>
        %bitcast3A_533 = vector.bitcast %shift_left3A_532 : vector<16xi32> to vector<16xf32>
        %and3A_534 = vector.broadcast %scan3A_216 : i32 to vector<16xi32>
        %and3A_535 = arith.andi %bitcast3A_529, %and3A_534 : vector<16xi32>
        %bitcast3A_536 = vector.bitcast %and3A_535 : vector<16xi32> to vector<16xf32>
        %add3A_537 = arith.addf %add3A_505, %bitcast3A_533 : vector<16xf32>
        %add3A_538 = arith.addf %add3A_506, %bitcast3A_536 : vector<16xf32>
        %get3A_539 = arith.constant 1 : i32
        %get3A_540 = arith.index_cast %get3A_539 : i32 to index
        %get3A_541 = arith.index_cast %scan3A_523 : i32 to index
        %get3A_542 = arith.constant 32 : index
        %get3A_543 = tpu.vector_load %arg7[%get3A_540, %get3A_541, %get3A_542] {strides = array<i32>} : memref<4x200x64xbf16, #tpu.memory_space<vmem>>, vector<32xbf16>,
        %bitcast3A_544 = vector.bitcast %get3A_543 : vector<32xbf16> to vector<16xi32>
        %shift_left3A_545 = arith.constant 16 : i32
        %shift_left3A_546 = vector.broadcast %shift_left3A_545 : i32 to vector<16xi32>
        %shift_left3A_547 = arith.shli %bitcast3A_544, %shift_left3A_546 : vector<16xi32>
        %bitcast3A_548 = vector.bitcast %shift_left3A_547 : vector<16xi32> to vector<16xf32>
        %and3A_549 = vector.broadcast %scan3A_216 : i32 to vector<16xi32>
        %and3A_550 = arith.andi %bitcast3A_544, %and3A_549 : vector<16xi32>
        %bitcast3A_551 = vector.bitcast %and3A_550 : vector<16xi32> to vector<16xf32>
        %add3A_552 = arith.addf %add3A_520, %bitcast3A_548 : vector<16xf32>
        %add3A_553 = arith.addf %add3A_521, %bitcast3A_551 : vector<16xf32>
        %scan3A_554 = arith.constant 4 : i32
        %scan3A_555 = arith.addi %scan3A_426, %scan3A_554 : i32
        %get3A_556 = arith.constant 1 : i32
        %get3A_557 = arith.index_cast %get3A_556 : i32 to index
        %get3A_558 = arith.index_cast %scan3A_555 : i32 to index
        %get3A_559 = arith.constant 0 : index
        %get3A_560 = tpu.vector_load %arg7[%get3A_557, %get3A_558, %get3A_559] {strides = array<i32>} : memref<4x200x64xbf16, #tpu.memory_space<vmem>>, vector<32xbf16>,
        %bitcast3A_561 = vector.bitcast %get3A_560 : vector<32xbf16> to vector<16xi32>
        %shift_left3A_562 = arith.constant 16 : i32
        %shift_left3A_563 = vector.broadcast %shift_left3A_562 : i32 to vector<16xi32>
        %shift_left3A_564 = arith.shli %bitcast3A_561, %shift_left3A_563 : vector<16xi32>
        %bitcast3A_565 = vector.bitcast %shift_left3A_564 : vector<16xi32> to vector<16xf32>
        %and3A_566 = vector.broadcast %scan3A_216 : i32 to vector<16xi32>
        %and3A_567 = arith.andi %bitcast3A_561, %and3A_566 : vector<16xi32>
        %bitcast3A_568 = vector.bitcast %and3A_567 : vector<16xi32> to vector<16xf32>
        %add3A_569 = arith.addf %add3A_537, %bitcast3A_565 : vector<16xf32>
        %add3A_570 = arith.addf %add3A_538, %bitcast3A_568 : vector<16xf32>
        %get3A_571 = arith.constant 1 : i32
        %get3A_572 = arith.index_cast %get3A_571 : i32 to index
        %get3A_573 = arith.index_cast %scan3A_555 : i32 to index
        %get3A_574 = arith.constant 32 : index
        %get3A_575 = tpu.vector_load %arg7[%get3A_572, %get3A_573, %get3A_574] {strides = array<i32>} : memref<4x200x64xbf16, #tpu.memory_space<vmem>>, vector<32xbf16>,
        %bitcast3A_576 = vector.bitcast %get3A_575 : vector<32xbf16> to vector<16xi32>
        %shift_left3A_577 = arith.constant 16 : i32
        %shift_left3A_578 = vector.broadcast %shift_left3A_577 : i32 to vector<16xi32>
        %shift_left3A_579 = arith.shli %bitcast3A_576, %shift_left3A_578 : vector<16xi32>
        %bitcast3A_580 = vector.bitcast %shift_left3A_579 : vector<16xi32> to vector<16xf32>
        %and3A_581 = vector.broadcast %scan3A_216 : i32 to vector<16xi32>
        %and3A_582 = arith.andi %bitcast3A_576, %and3A_581 : vector<16xi32>
        %bitcast3A_583 = vector.bitcast %and3A_582 : vector<16xi32> to vector<16xf32>
        %add3A_584 = arith.addf %add3A_552, %bitcast3A_580 : vector<16xf32>
        %add3A_585 = arith.addf %add3A_553, %bitcast3A_583 : vector<16xf32>
        %scan3A_586 = arith.constant 5 : i32
        %scan3A_587 = arith.addi %scan3A_426, %scan3A_586 : i32
        %get3A_588 = arith.constant 1 : i32
        %get3A_589 = arith.index_cast %get3A_588 : i32 to index
        %get3A_590 = arith.index_cast %scan3A_587 : i32 to index
        %get3A_591 = arith.constant 0 : index
        %get3A_592 = tpu.vector_load %arg7[%get3A_589, %get3A_590, %get3A_591] {strides = array<i32>} : memref<4x200x64xbf16, #tpu.memory_space<vmem>>, vector<32xbf16>,
        %bitcast3A_593 = vector.bitcast %get3A_592 : vector<32xbf16> to vector<16xi32>
        %shift_left3A_594 = arith.constant 16 : i32
        %shift_left3A_595 = vector.broadcast %shift_left3A_594 : i32 to vector<16xi32>
        %shift_left3A_596 = arith.shli %bitcast3A_593, %shift_left3A_595 : vector<16xi32>
        %bitcast3A_597 = vector.bitcast %shift_left3A_596 : vector<16xi32> to vector<16xf32>
        %and3A_598 = vector.broadcast %scan3A_216 : i32 to vector<16xi32>
        %and3A_599 = arith.andi %bitcast3A_593, %and3A_598 : vector<16xi32>
        %bitcast3A_600 = vector.bitcast %and3A_599 : vector<16xi32> to vector<16xf32>
        %add3A_601 = arith.addf %add3A_569, %bitcast3A_597 : vector<16xf32>
        %add3A_602 = arith.addf %add3A_570, %bitcast3A_600 : vector<16xf32>
        %get3A_603 = arith.constant 1 : i32
        %get3A_604 = arith.index_cast %get3A_603 : i32 to index
        %get3A_605 = arith.index_cast %scan3A_587 : i32 to index
        %get3A_606 = arith.constant 32 : index
        %get3A_607 = tpu.vector_load %arg7[%get3A_604, %get3A_605, %get3A_606] {strides = array<i32>} : memref<4x200x64xbf16, #tpu.memory_space<vmem>>, vector<32xbf16>,
        %bitcast3A_608 = vector.bitcast %get3A_607 : vector<32xbf16> to vector<16xi32>
        %shift_left3A_609 = arith.constant 16 : i32
        %shift_left3A_610 = vector.broadcast %shift_left3A_609 : i32 to vector<16xi32>
        %shift_left3A_611 = arith.shli %bitcast3A_608, %shift_left3A_610 : vector<16xi32>
        %bitcast3A_612 = vector.bitcast %shift_left3A_611 : vector<16xi32> to vector<16xf32>
        %and3A_613 = vector.broadcast %scan3A_216 : i32 to vector<16xi32>
        %and3A_614 = arith.andi %bitcast3A_608, %and3A_613 : vector<16xi32>
        %bitcast3A_615 = vector.bitcast %and3A_614 : vector<16xi32> to vector<16xf32>
        %add3A_616 = arith.addf %add3A_584, %bitcast3A_612 : vector<16xf32>
        %add3A_617 = arith.addf %add3A_585, %bitcast3A_615 : vector<16xf32>
        %scan3A_618 = arith.constant 6 : i32
        %scan3A_619 = arith.addi %scan3A_426, %scan3A_618 : i32
        %get3A_620 = arith.constant 1 : i32
        %get3A_621 = arith.index_cast %get3A_620 : i32 to index
        %get3A_622 = arith.index_cast %scan3A_619 : i32 to index
        %get3A_623 = arith.constant 0 : index
        %get3A_624 = tpu.vector_load %arg7[%get3A_621, %get3A_622, %get3A_623] {strides = array<i32>} : memref<4x200x64xbf16, #tpu.memory_space<vmem>>, vector<32xbf16>,
        %bitcast3A_625 = vector.bitcast %get3A_624 : vector<32xbf16> to vector<16xi32>
        %shift_left3A_626 = arith.constant 16 : i32
        %shift_left3A_627 = vector.broadcast %shift_left3A_626 : i32 to vector<16xi32>
        %shift_left3A_628 = arith.shli %bitcast3A_625, %shift_left3A_627 : vector<16xi32>
        %bitcast3A_629 = vector.bitcast %shift_left3A_628 : vector<16xi32> to vector<16xf32>
        %and3A_630 = vector.broadcast %scan3A_216 : i32 to vector<16xi32>
        %and3A_631 = arith.andi %bitcast3A_625, %and3A_630 : vector<16xi32>
        %bitcast3A_632 = vector.bitcast %and3A_631 : vector<16xi32> to vector<16xf32>
        %add3A_633 = arith.addf %add3A_601, %bitcast3A_629 : vector<16xf32>
        %add3A_634 = arith.addf %add3A_602, %bitcast3A_632 : vector<16xf32>
        %get3A_635 = arith.constant 1 : i32
        %get3A_636 = arith.index_cast %get3A_635 : i32 to index
        %get3A_637 = arith.index_cast %scan3A_619 : i32 to index
        %get3A_638 = arith.constant 32 : index
        %get3A_639 = tpu.vector_load %arg7[%get3A_636, %get3A_637, %get3A_638] {strides = array<i32>} : memref<4x200x64xbf16, #tpu.memory_space<vmem>>, vector<32xbf16>,
        %bitcast3A_640 = vector.bitcast %get3A_639 : vector<32xbf16> to vector<16xi32>
        %shift_left3A_641 = arith.constant 16 : i32
        %shift_left3A_642 = vector.broadcast %shift_left3A_641 : i32 to vector<16xi32>
        %shift_left3A_643 = arith.shli %bitcast3A_640, %shift_left3A_642 : vector<16xi32>
        %bitcast3A_644 = vector.bitcast %shift_left3A_643 : vector<16xi32> to vector<16xf32>
        %and3A_645 = vector.broadcast %scan3A_216 : i32 to vector<16xi32>
        %and3A_646 = arith.andi %bitcast3A_640, %and3A_645 : vector<16xi32>
        %bitcast3A_647 = vector.bitcast %and3A_646 : vector<16xi32> to vector<16xf32>
        %add3A_648 = arith.addf %add3A_616, %bitcast3A_644 : vector<16xf32>
        %add3A_649 = arith.addf %add3A_617, %bitcast3A_647 : vector<16xf32>
        %scan3A_650 = arith.constant 7 : i32
        %scan3A_651 = arith.addi %scan3A_426, %scan3A_650 : i32
        %get3A_652 = arith.constant 1 : i32
        %get3A_653 = arith.index_cast %get3A_652 : i32 to index
        %get3A_654 = arith.index_cast %scan3A_651 : i32 to index
        %get3A_655 = arith.constant 0 : index
        %get3A_656 = tpu.vector_load %arg7[%get3A_653, %get3A_654, %get3A_655] {strides = array<i32>} : memref<4x200x64xbf16, #tpu.memory_space<vmem>>, vector<32xbf16>,
        %bitcast3A_657 = vector.bitcast %get3A_656 : vector<32xbf16> to vector<16xi32>
        %shift_left3A_658 = arith.constant 16 : i32
        %shift_left3A_659 = vector.broadcast %shift_left3A_658 : i32 to vector<16xi32>
        %shift_left3A_660 = arith.shli %bitcast3A_657, %shift_left3A_659 : vector<16xi32>
        %bitcast3A_661 = vector.bitcast %shift_left3A_660 : vector<16xi32> to vector<16xf32>
        %and3A_662 = vector.broadcast %scan3A_216 : i32 to vector<16xi32>
        %and3A_663 = arith.andi %bitcast3A_657, %and3A_662 : vector<16xi32>
        %bitcast3A_664 = vector.bitcast %and3A_663 : vector<16xi32> to vector<16xf32>
        %add3A_665 = arith.addf %add3A_633, %bitcast3A_661 : vector<16xf32>
        %add3A_666 = arith.addf %add3A_634, %bitcast3A_664 : vector<16xf32>
        %get3A_667 = arith.constant 1 : i32
        %get3A_668 = arith.index_cast %get3A_667 : i32 to index
        %get3A_669 = arith.index_cast %scan3A_651 : i32 to index
        %get3A_670 = arith.constant 32 : index
        %get3A_671 = tpu.vector_load %arg7[%get3A_668, %get3A_669, %get3A_670] {strides = array<i32>} : memref<4x200x64xbf16, #tpu.memory_space<vmem>>, vector<32xbf16>,
        %bitcast3A_672 = vector.bitcast %get3A_671 : vector<32xbf16> to vector<16xi32>
        %shift_left3A_673 = arith.constant 16 : i32
        %shift_left3A_674 = vector.broadcast %shift_left3A_673 : i32 to vector<16xi32>
        %shift_left3A_675 = arith.shli %bitcast3A_672, %shift_left3A_674 : vector<16xi32>
        %bitcast3A_676 = vector.bitcast %shift_left3A_675 : vector<16xi32> to vector<16xf32>
        %and3A_677 = vector.broadcast %scan3A_216 : i32 to vector<16xi32>
        %and3A_678 = arith.andi %bitcast3A_672, %and3A_677 : vector<16xi32>
        %bitcast3A_679 = vector.bitcast %and3A_678 : vector<16xi32> to vector<16xf32>
        %add3A_680 = arith.addf %add3A_648, %bitcast3A_676 : vector<16xf32>
        %add3A_681 = arith.addf %add3A_649, %bitcast3A_679 : vector<16xf32>
        scf.yield %add3A_665, %add3A_666, %add3A_680, %add3A_681 : vector<16xf32>, vector<16xf32>, vector<16xf32>, vector<16xf32>
      }
      %scan3A_222 = arith.constant 200 : i32
      %broadcast_in_dim3A_223 = vector.broadcast %sub3A_211 : i32 to vector<16xi32>
      %add3A_224 = arith.constant 0 : i32
      %add3A_225 = arith.addi %mul3A_213, %add3A_224 : i32
      %add3A_226 = arith.constant 0 : i32
      %add3A_227 = arith.addi %add3A_225, %add3A_226 : i32
      %add3A_228 = vector.broadcast %add3A_227 : i32 to vector<16xi32>
      %add3A_229 = arith.addi %mul3A_5, %add3A_228 : vector<16xi32>
      tpu.vector_store_idx %arg8[%broadcast_in_dim3A_223, %add3A_229], %scan3A_221#0 : memref<128x128xf32, #tpu.memory_space<vmem>>[vector<16xi32>, vector<16xi32>], vector<16xf32>,
      %add3A_230 = arith.constant 0 : i32
      %add3A_231 = arith.addi %mul3A_213, %add3A_230 : i32
      %add3A_232 = arith.constant 1 : i32
      %add3A_233 = arith.addi %add3A_231, %add3A_232 : i32
      %add3A_234 = vector.broadcast %add3A_233 : i32 to vector<16xi32>
      %add3A_235 = arith.addi %mul3A_5, %add3A_234 : vector<16xi32>
      tpu.vector_store_idx %arg8[%broadcast_in_dim3A_223, %add3A_235], %scan3A_221#1 : memref<128x128xf32, #tpu.memory_space<vmem>>[vector<16xi32>, vector<16xi32>], vector<16xf32>,
      %add3A_236 = arith.constant 32 : i32
      %add3A_237 = arith.addi %mul3A_213, %add3A_236 : i32
      %add3A_238 = arith.constant 0 : i32
      %add3A_239 = arith.addi %add3A_237, %add3A_238 : i32
      %add3A_240 = vector.broadcast %add3A_239 : i32 to vector<16xi32>
      %add3A_241 = arith.addi %mul3A_5, %add3A_240 : vector<16xi32>
      tpu.vector_store_idx %arg8[%broadcast_in_dim3A_223, %add3A_241], %scan3A_221#2 : memref<128x128xf32, #tpu.memory_space<vmem>>[vector<16xi32>, vector<16xi32>], vector<16xf32>,
      %add3A_242 = arith.constant 32 : i32
      %add3A_243 = arith.addi %mul3A_213, %add3A_242 : i32
      %add3A_244 = arith.constant 1 : i32
      %add3A_245 = arith.addi %add3A_243, %add3A_244 : i32
      %add3A_246 = vector.broadcast %add3A_245 : i32 to vector<16xi32>
      %add3A_247 = arith.addi %mul3A_5, %add3A_246 : vector<16xi32>
      tpu.vector_store_idx %arg8[%broadcast_in_dim3A_223, %add3A_247], %scan3A_221#3 : memref<128x128xf32, #tpu.memory_space<vmem>>[vector<16xi32>, vector<16xi32>], vector<16xf32>,
      %mul3A_248 = arith.constant 4 : i32
      %mul3A_249 = arith.muli %mul3A_248, %scan3A_82 : i32
      %add3A_250 = arith.constant 2 : i32
      %add3A_251 = arith.addi %mul3A_249, %add3A_250 : i32
      %dma_wait3A_252 = arith.constant 2 : i32
      %dma_wait3A_253 = arith.constant 0 : i32
      %dma_wait3A_254 = arith.constant 0 : i32
      %dma_wait3A_255 = tpu.memref_slice %arg7[%dma_wait3A_252, %dma_wait3A_253, %dma_wait3A_254] : memref<4x200x64xbf16, #tpu.memory_space<vmem>> -> memref<1x200x64xbf16, #tpu.memory_space<vmem>>
      %dma_wait3A_256 = tpu.memref_squeeze %dma_wait3A_255 : memref<1x200x64xbf16, #tpu.memory_space<vmem>> -> memref<200x64xbf16, #tpu.memory_space<vmem>>
      %dma_wait3A_257 = arith.constant 0 : i32
      %dma_wait3A_258 = arith.constant 0 : i32
      %dma_wait3A_259 = tpu.memref_slice %arg4[%dma_wait3A_257, %dma_wait3A_258] : memref<100000x64xbf16, #tpu.memory_space<hbm>> -> memref<200x64xbf16, #tpu.memory_space<hbm>>
      %dma_wait3A_260 = arith.constant 0 : i32
      %dma_wait3A_261 = arith.constant 0 : i32
      %dma_wait3A_262 = tpu.memref_slice %arg7[%dma_wait3A_252, %dma_wait3A_260, %dma_wait3A_261] : memref<4x200x64xbf16, #tpu.memory_space<vmem>> -> memref<1x200x64xbf16, #tpu.memory_space<vmem>>
      %dma_wait3A_263 = tpu.memref_squeeze %dma_wait3A_262 : memref<1x200x64xbf16, #tpu.memory_space<vmem>> -> memref<200x64xbf16, #tpu.memory_space<vmem>>
      %dma_wait3A_264 = arith.constant 0 : i32
      %dma_wait3A_265 = arith.constant 0 : i32
      %dma_wait3A_266 = tpu.memref_slice %arg4[%dma_wait3A_264, %dma_wait3A_265] : memref<100000x64xbf16, #tpu.memory_space<hbm>> -> memref<200x64xbf16, #tpu.memory_space<hbm>>
      tpu.wait_dma2 semaphore(%arg11 : memref<!tpu.dma_semaphore, #tpu.memory_space<semaphore_mem>>) src(%dma_wait3A_266 : memref<200x64xbf16, #tpu.memory_space<hbm>>) dst(%dma_wait3A_263 : memref<200x64xbf16, #tpu.memory_space<vmem>>)
      %add3A_267 = arith.constant 3 : i32
      %add3A_268 = arith.addi %add3A_251, %add3A_267 : i32
      %lt3A_269 = arith.constant 256 : i32
      %lt3A_270 = arith.cmpi slt, %add3A_268, %lt3A_269 : i32
      %convert_element_type3A_271 = arith.extui %lt3A_270 : i1 to i32
      %cond3A_272 = arith.constant 0 : i32
      %cond3A_273 = arith.cmpi ne, %convert_element_type3A_271, %cond3A_272 : i32
      scf.if %cond3A_273 {
        %add3A_426 = arith.constant 3 : i32
        %add3A_427 = arith.addi %add3A_251, %add3A_426 : i32
        %dma_start3A_428 = arith.constant 1 : i32
        %dma_start3A_429 = arith.constant 0 : i32
        %dma_start3A_430 = arith.constant 0 : i32
        %dma_start3A_431 = tpu.memref_slice %arg7[%dma_start3A_428, %dma_start3A_429, %dma_start3A_430] : memref<4x200x64xbf16, #tpu.memory_space<vmem>> -> memref<1x96x64xbf16, #tpu.memory_space<vmem>>
        %dma_start3A_432 = tpu.memref_squeeze %dma_start3A_431 : memref<1x96x64xbf16, #tpu.memory_space<vmem>> -> memref<96x64xbf16, #tpu.memory_space<vmem>>
        %dma_start3A_433 = arith.constant 0 : i32
        %dma_start3A_434 = tpu.memref_slice %arg6[%add3A_427, %dma_start3A_433] : memref<256x200xi32, #tpu.memory_space<vmem>> -> memref<1x96xi32, #tpu.memory_space<vmem>>
        %dma_start3A_435 = tpu.memref_squeeze %dma_start3A_434 : memref<1x96xi32, #tpu.memory_space<vmem>> -> memref<96xi32, #tpu.memory_space<vmem>>
        %dma_start3A_436 = arith.constant 0 : i32
        %dma_start3A_437 = arith.constant 0 : i32
        %dma_start3A_438 = tpu.memref_slice %arg4[%dma_start3A_436, %dma_start3A_437] : memref<100000x64xbf16, #tpu.memory_space<hbm>> -> memref<100000x64xbf16, #tpu.memory_space<hbm>>
        tpu.enqueue_indirect_dma source(%dma_start3A_438 : memref<100000x64xbf16, #tpu.memory_space<hbm>>) target(%dma_start3A_432 : memref<96x64xbf16, #tpu.memory_space<vmem>>) offsets(%dma_start3A_435 : memref<96xi32, #tpu.memory_space<vmem>>) semaphore(%arg10 : memref<!tpu.dma_semaphore, #tpu.memory_space<semaphore_mem>>)
        %dma_start3A_439 = arith.constant 1 : i32
        %dma_start3A_440 = arith.constant 96 : i32
        %dma_start3A_441 = arith.constant 0 : i32
        %dma_start3A_442 = tpu.memref_slice %arg7[%dma_start3A_439, %dma_start3A_440, %dma_start3A_441] : memref<4x200x64xbf16, #tpu.memory_space<vmem>> -> memref<1x104x64xbf16, #tpu.memory_space<vmem>>
        %dma_start3A_443 = tpu.memref_squeeze %dma_start3A_442 : memref<1x104x64xbf16, #tpu.memory_space<vmem>> -> memref<104x64xbf16, #tpu.memory_space<vmem>>
        %dma_start3A_444 = arith.constant 96 : i32
        %dma_start3A_445 = tpu.memref_slice %arg6[%add3A_427, %dma_start3A_444] : memref<256x200xi32, #tpu.memory_space<vmem>> -> memref<1x104xi32, #tpu.memory_space<vmem>>
        %dma_start3A_446 = tpu.memref_squeeze %dma_start3A_445 : memref<1x104xi32, #tpu.memory_space<vmem>> -> memref<104xi32, #tpu.memory_space<vmem>>
        %dma_start3A_447 = arith.constant 0 : i32
        %dma_start3A_448 = arith.constant 0 : i32
        %dma_start3A_449 = tpu.memref_slice %arg4[%dma_start3A_447, %dma_start3A_448] : memref<100000x64xbf16, #tpu.memory_space<hbm>> -> memref<100000x64xbf16, #tpu.memory_space<hbm>>
        tpu.enqueue_indirect_dma source(%dma_start3A_449 : memref<100000x64xbf16, #tpu.memory_space<hbm>>) target(%dma_start3A_443 : memref<104x64xbf16, #tpu.memory_space<vmem>>) offsets(%dma_start3A_446 : memref<104xi32, #tpu.memory_space<vmem>>) semaphore(%arg10 : memref<!tpu.dma_semaphore, #tpu.memory_space<semaphore_mem>>)
      } else {
      }
      %jit3A_274 = arith.constant 128 : i32
      %div3A_275 = arith.divsi %add3A_251, %jit3A_274 : i32
      %sign3A_276 = arith.constant 0 : i32
      %sign3A_277 = arith.cmpi sgt, %add3A_251, %sign3A_276 : i32
      %sign3A_278 = arith.extui %sign3A_277 : i1 to i32
      %sign3A_279 = arith.constant 0 : i32
      %sign3A_280 = arith.cmpi slt, %add3A_251, %sign3A_279 : i32
      %sign3A_281 = arith.extui %sign3A_280 : i1 to i32
      %sign3A_282 = arith.subi %sign3A_278, %sign3A_281 : i32
      %sign3A_283 = arith.constant 0 : i32
      %sign3A_284 = arith.cmpi sgt, %jit3A_274, %sign3A_283 : i32
      %sign3A_285 = arith.extui %sign3A_284 : i1 to i32
      %sign3A_286 = arith.constant 0 : i32
      %sign3A_287 = arith.cmpi slt, %jit3A_274, %sign3A_286 : i32
      %sign3A_288 = arith.extui %sign3A_287 : i1 to i32
      %sign3A_289 = arith.subi %sign3A_285, %sign3A_288 : i32
      %ne3A_290 = arith.cmpi ne, %sign3A_282, %sign3A_289 : i32
      %rem3A_291 = arith.remsi %add3A_251, %jit3A_274 : i32
      %ne3A_292 = arith.constant 0 : i32
      %ne3A_293 = arith.cmpi ne, %rem3A_291, %ne3A_292 : i32
      %and3A_294 = arith.andi %ne3A_290, %ne3A_293 : i1
      %sub3A_295 = arith.constant 1 : i32
      %sub3A_296 = arith.subi %div3A_275, %sub3A_295 : i32
      %select_n3A_297 = arith.select %and3A_294, %sub3A_296, %div3A_275 : i32
      %mul3A_298 = arith.constant 128 : i32
      %mul3A_299 = arith.muli %select_n3A_297, %mul3A_298 : i32
      %sub3A_300 = arith.subi %add3A_251, %mul3A_299 : i32
      %mul3A_301 = arith.constant 64 : i32
      %mul3A_302 = arith.muli %select_n3A_297, %mul3A_301 : i32
      %broadcast_in_dim3A_303 = arith.constant 0.000000e+00 : f32
      %broadcast_in_dim3A_304 = vector.broadcast %broadcast_in_dim3A_303 : f32 to vector<16xf32>
      %scan3A_305 = arith.constant -65536 : i32
      %scan3A_306 = arith.constant 0 : i32
      %scan3A_307 = arith.constant 200 : i32
      %scan3A_308 = arith.addi %scan3A_306, %scan3A_307 : i32
      %scan3A_309 = arith.constant 8 : i32
      %scan3A_310:4 = scf.for %scan3A_426 = %scan3A_306 to %scan3A_308 step %scan3A_309 iter_args(%scan3A_427 = %broadcast_in_dim3A_304, %scan3A_428 = %broadcast_in_dim3A_304, %scan3A_429 = %broadcast_in_dim3A_304, %scan3A_430 = %broadcast_in_dim3A_304) -> (vector<16xf32>, vector<16xf32>, vector<16xf32>, vector<16xf32>)  : i32 {
        %get3A = arith.constant 2 : i32
        %get3A_431 = arith.index_cast %get3A : i32 to index
        %get3A_432 = arith.index_cast %scan3A_426 : i32 to index
        %get3A_433 = arith.constant 0 : index
        %get3A_434 = tpu.vector_load %arg7[%get3A_431, %get3A_432, %get3A_433] {strides = array<i32>} : memref<4x200x64xbf16, #tpu.memory_space<vmem>>, vector<32xbf16>,
        %bitcast3A = vector.bitcast %get3A_434 : vector<32xbf16> to vector<16xi32>
        %shift_left3A = arith.constant 16 : i32
        %shift_left3A_435 = vector.broadcast %shift_left3A : i32 to vector<16xi32>
        %shift_left3A_436 = arith.shli %bitcast3A, %shift_left3A_435 : vector<16xi32>
        %bitcast3A_437 = vector.bitcast %shift_left3A_436 : vector<16xi32> to vector<16xf32>
        %and3A_438 = vector.broadcast %scan3A_305 : i32 to vector<16xi32>
        %and3A_439 = arith.andi %bitcast3A, %and3A_438 : vector<16xi32>
        %bitcast3A_440 = vector.bitcast %and3A_439 : vector<16xi32> to vector<16xf32>
        %add3A_441 = arith.addf %scan3A_427, %bitcast3A_437 : vector<16xf32>
        %add3A_442 = arith.addf %scan3A_428, %bitcast3A_440 : vector<16xf32>
        %get3A_443 = arith.constant 2 : i32
        %get3A_444 = arith.index_cast %get3A_443 : i32 to index
        %get3A_445 = arith.index_cast %scan3A_426 : i32 to index
        %get3A_446 = arith.constant 32 : index
        %get3A_447 = tpu.vector_load %arg7[%get3A_444, %get3A_445, %get3A_446] {strides = array<i32>} : memref<4x200x64xbf16, #tpu.memory_space<vmem>>, vector<32xbf16>,
        %bitcast3A_448 = vector.bitcast %get3A_447 : vector<32xbf16> to vector<16xi32>
        %shift_left3A_449 = arith.constant 16 : i32
        %shift_left3A_450 = vector.broadcast %shift_left3A_449 : i32 to vector<16xi32>
        %shift_left3A_451 = arith.shli %bitcast3A_448, %shift_left3A_450 : vector<16xi32>
        %bitcast3A_452 = vector.bitcast %shift_left3A_451 : vector<16xi32> to vector<16xf32>
        %and3A_453 = vector.broadcast %scan3A_305 : i32 to vector<16xi32>
        %and3A_454 = arith.andi %bitcast3A_448, %and3A_453 : vector<16xi32>
        %bitcast3A_455 = vector.bitcast %and3A_454 : vector<16xi32> to vector<16xf32>
        %add3A_456 = arith.addf %scan3A_429, %bitcast3A_452 : vector<16xf32>
        %add3A_457 = arith.addf %scan3A_430, %bitcast3A_455 : vector<16xf32>
        %scan3A_458 = arith.constant 1 : i32
        %scan3A_459 = arith.addi %scan3A_426, %scan3A_458 : i32
        %get3A_460 = arith.constant 2 : i32
        %get3A_461 = arith.index_cast %get3A_460 : i32 to index
        %get3A_462 = arith.index_cast %scan3A_459 : i32 to index
        %get3A_463 = arith.constant 0 : index
        %get3A_464 = tpu.vector_load %arg7[%get3A_461, %get3A_462, %get3A_463] {strides = array<i32>} : memref<4x200x64xbf16, #tpu.memory_space<vmem>>, vector<32xbf16>,
        %bitcast3A_465 = vector.bitcast %get3A_464 : vector<32xbf16> to vector<16xi32>
        %shift_left3A_466 = arith.constant 16 : i32
        %shift_left3A_467 = vector.broadcast %shift_left3A_466 : i32 to vector<16xi32>
        %shift_left3A_468 = arith.shli %bitcast3A_465, %shift_left3A_467 : vector<16xi32>
        %bitcast3A_469 = vector.bitcast %shift_left3A_468 : vector<16xi32> to vector<16xf32>
        %and3A_470 = vector.broadcast %scan3A_305 : i32 to vector<16xi32>
        %and3A_471 = arith.andi %bitcast3A_465, %and3A_470 : vector<16xi32>
        %bitcast3A_472 = vector.bitcast %and3A_471 : vector<16xi32> to vector<16xf32>
        %add3A_473 = arith.addf %add3A_441, %bitcast3A_469 : vector<16xf32>
        %add3A_474 = arith.addf %add3A_442, %bitcast3A_472 : vector<16xf32>
        %get3A_475 = arith.constant 2 : i32
        %get3A_476 = arith.index_cast %get3A_475 : i32 to index
        %get3A_477 = arith.index_cast %scan3A_459 : i32 to index
        %get3A_478 = arith.constant 32 : index
        %get3A_479 = tpu.vector_load %arg7[%get3A_476, %get3A_477, %get3A_478] {strides = array<i32>} : memref<4x200x64xbf16, #tpu.memory_space<vmem>>, vector<32xbf16>,
        %bitcast3A_480 = vector.bitcast %get3A_479 : vector<32xbf16> to vector<16xi32>
        %shift_left3A_481 = arith.constant 16 : i32
        %shift_left3A_482 = vector.broadcast %shift_left3A_481 : i32 to vector<16xi32>
        %shift_left3A_483 = arith.shli %bitcast3A_480, %shift_left3A_482 : vector<16xi32>
        %bitcast3A_484 = vector.bitcast %shift_left3A_483 : vector<16xi32> to vector<16xf32>
        %and3A_485 = vector.broadcast %scan3A_305 : i32 to vector<16xi32>
        %and3A_486 = arith.andi %bitcast3A_480, %and3A_485 : vector<16xi32>
        %bitcast3A_487 = vector.bitcast %and3A_486 : vector<16xi32> to vector<16xf32>
        %add3A_488 = arith.addf %add3A_456, %bitcast3A_484 : vector<16xf32>
        %add3A_489 = arith.addf %add3A_457, %bitcast3A_487 : vector<16xf32>
        %scan3A_490 = arith.constant 2 : i32
        %scan3A_491 = arith.addi %scan3A_426, %scan3A_490 : i32
        %get3A_492 = arith.constant 2 : i32
        %get3A_493 = arith.index_cast %get3A_492 : i32 to index
        %get3A_494 = arith.index_cast %scan3A_491 : i32 to index
        %get3A_495 = arith.constant 0 : index
        %get3A_496 = tpu.vector_load %arg7[%get3A_493, %get3A_494, %get3A_495] {strides = array<i32>} : memref<4x200x64xbf16, #tpu.memory_space<vmem>>, vector<32xbf16>,
        %bitcast3A_497 = vector.bitcast %get3A_496 : vector<32xbf16> to vector<16xi32>
        %shift_left3A_498 = arith.constant 16 : i32
        %shift_left3A_499 = vector.broadcast %shift_left3A_498 : i32 to vector<16xi32>
        %shift_left3A_500 = arith.shli %bitcast3A_497, %shift_left3A_499 : vector<16xi32>
        %bitcast3A_501 = vector.bitcast %shift_left3A_500 : vector<16xi32> to vector<16xf32>
        %and3A_502 = vector.broadcast %scan3A_305 : i32 to vector<16xi32>
        %and3A_503 = arith.andi %bitcast3A_497, %and3A_502 : vector<16xi32>
        %bitcast3A_504 = vector.bitcast %and3A_503 : vector<16xi32> to vector<16xf32>
        %add3A_505 = arith.addf %add3A_473, %bitcast3A_501 : vector<16xf32>
        %add3A_506 = arith.addf %add3A_474, %bitcast3A_504 : vector<16xf32>
        %get3A_507 = arith.constant 2 : i32
        %get3A_508 = arith.index_cast %get3A_507 : i32 to index
        %get3A_509 = arith.index_cast %scan3A_491 : i32 to index
        %get3A_510 = arith.constant 32 : index
        %get3A_511 = tpu.vector_load %arg7[%get3A_508, %get3A_509, %get3A_510] {strides = array<i32>} : memref<4x200x64xbf16, #tpu.memory_space<vmem>>, vector<32xbf16>,
        %bitcast3A_512 = vector.bitcast %get3A_511 : vector<32xbf16> to vector<16xi32>
        %shift_left3A_513 = arith.constant 16 : i32
        %shift_left3A_514 = vector.broadcast %shift_left3A_513 : i32 to vector<16xi32>
        %shift_left3A_515 = arith.shli %bitcast3A_512, %shift_left3A_514 : vector<16xi32>
        %bitcast3A_516 = vector.bitcast %shift_left3A_515 : vector<16xi32> to vector<16xf32>
        %and3A_517 = vector.broadcast %scan3A_305 : i32 to vector<16xi32>
        %and3A_518 = arith.andi %bitcast3A_512, %and3A_517 : vector<16xi32>
        %bitcast3A_519 = vector.bitcast %and3A_518 : vector<16xi32> to vector<16xf32>
        %add3A_520 = arith.addf %add3A_488, %bitcast3A_516 : vector<16xf32>
        %add3A_521 = arith.addf %add3A_489, %bitcast3A_519 : vector<16xf32>
        %scan3A_522 = arith.constant 3 : i32
        %scan3A_523 = arith.addi %scan3A_426, %scan3A_522 : i32
        %get3A_524 = arith.constant 2 : i32
        %get3A_525 = arith.index_cast %get3A_524 : i32 to index
        %get3A_526 = arith.index_cast %scan3A_523 : i32 to index
        %get3A_527 = arith.constant 0 : index
        %get3A_528 = tpu.vector_load %arg7[%get3A_525, %get3A_526, %get3A_527] {strides = array<i32>} : memref<4x200x64xbf16, #tpu.memory_space<vmem>>, vector<32xbf16>,
        %bitcast3A_529 = vector.bitcast %get3A_528 : vector<32xbf16> to vector<16xi32>
        %shift_left3A_530 = arith.constant 16 : i32
        %shift_left3A_531 = vector.broadcast %shift_left3A_530 : i32 to vector<16xi32>
        %shift_left3A_532 = arith.shli %bitcast3A_529, %shift_left3A_531 : vector<16xi32>
        %bitcast3A_533 = vector.bitcast %shift_left3A_532 : vector<16xi32> to vector<16xf32>
        %and3A_534 = vector.broadcast %scan3A_305 : i32 to vector<16xi32>
        %and3A_535 = arith.andi %bitcast3A_529, %and3A_534 : vector<16xi32>
        %bitcast3A_536 = vector.bitcast %and3A_535 : vector<16xi32> to vector<16xf32>
        %add3A_537 = arith.addf %add3A_505, %bitcast3A_533 : vector<16xf32>
        %add3A_538 = arith.addf %add3A_506, %bitcast3A_536 : vector<16xf32>
        %get3A_539 = arith.constant 2 : i32
        %get3A_540 = arith.index_cast %get3A_539 : i32 to index
        %get3A_541 = arith.index_cast %scan3A_523 : i32 to index
        %get3A_542 = arith.constant 32 : index
        %get3A_543 = tpu.vector_load %arg7[%get3A_540, %get3A_541, %get3A_542] {strides = array<i32>} : memref<4x200x64xbf16, #tpu.memory_space<vmem>>, vector<32xbf16>,
        %bitcast3A_544 = vector.bitcast %get3A_543 : vector<32xbf16> to vector<16xi32>
        %shift_left3A_545 = arith.constant 16 : i32
        %shift_left3A_546 = vector.broadcast %shift_left3A_545 : i32 to vector<16xi32>
        %shift_left3A_547 = arith.shli %bitcast3A_544, %shift_left3A_546 : vector<16xi32>
        %bitcast3A_548 = vector.bitcast %shift_left3A_547 : vector<16xi32> to vector<16xf32>
        %and3A_549 = vector.broadcast %scan3A_305 : i32 to vector<16xi32>
        %and3A_550 = arith.andi %bitcast3A_544, %and3A_549 : vector<16xi32>
        %bitcast3A_551 = vector.bitcast %and3A_550 : vector<16xi32> to vector<16xf32>
        %add3A_552 = arith.addf %add3A_520, %bitcast3A_548 : vector<16xf32>
        %add3A_553 = arith.addf %add3A_521, %bitcast3A_551 : vector<16xf32>
        %scan3A_554 = arith.constant 4 : i32
        %scan3A_555 = arith.addi %scan3A_426, %scan3A_554 : i32
        %get3A_556 = arith.constant 2 : i32
        %get3A_557 = arith.index_cast %get3A_556 : i32 to index
        %get3A_558 = arith.index_cast %scan3A_555 : i32 to index
        %get3A_559 = arith.constant 0 : index
        %get3A_560 = tpu.vector_load %arg7[%get3A_557, %get3A_558, %get3A_559] {strides = array<i32>} : memref<4x200x64xbf16, #tpu.memory_space<vmem>>, vector<32xbf16>,
        %bitcast3A_561 = vector.bitcast %get3A_560 : vector<32xbf16> to vector<16xi32>
        %shift_left3A_562 = arith.constant 16 : i32
        %shift_left3A_563 = vector.broadcast %shift_left3A_562 : i32 to vector<16xi32>
        %shift_left3A_564 = arith.shli %bitcast3A_561, %shift_left3A_563 : vector<16xi32>
        %bitcast3A_565 = vector.bitcast %shift_left3A_564 : vector<16xi32> to vector<16xf32>
        %and3A_566 = vector.broadcast %scan3A_305 : i32 to vector<16xi32>
        %and3A_567 = arith.andi %bitcast3A_561, %and3A_566 : vector<16xi32>
        %bitcast3A_568 = vector.bitcast %and3A_567 : vector<16xi32> to vector<16xf32>
        %add3A_569 = arith.addf %add3A_537, %bitcast3A_565 : vector<16xf32>
        %add3A_570 = arith.addf %add3A_538, %bitcast3A_568 : vector<16xf32>
        %get3A_571 = arith.constant 2 : i32
        %get3A_572 = arith.index_cast %get3A_571 : i32 to index
        %get3A_573 = arith.index_cast %scan3A_555 : i32 to index
        %get3A_574 = arith.constant 32 : index
        %get3A_575 = tpu.vector_load %arg7[%get3A_572, %get3A_573, %get3A_574] {strides = array<i32>} : memref<4x200x64xbf16, #tpu.memory_space<vmem>>, vector<32xbf16>,
        %bitcast3A_576 = vector.bitcast %get3A_575 : vector<32xbf16> to vector<16xi32>
        %shift_left3A_577 = arith.constant 16 : i32
        %shift_left3A_578 = vector.broadcast %shift_left3A_577 : i32 to vector<16xi32>
        %shift_left3A_579 = arith.shli %bitcast3A_576, %shift_left3A_578 : vector<16xi32>
        %bitcast3A_580 = vector.bitcast %shift_left3A_579 : vector<16xi32> to vector<16xf32>
        %and3A_581 = vector.broadcast %scan3A_305 : i32 to vector<16xi32>
        %and3A_582 = arith.andi %bitcast3A_576, %and3A_581 : vector<16xi32>
        %bitcast3A_583 = vector.bitcast %and3A_582 : vector<16xi32> to vector<16xf32>
        %add3A_584 = arith.addf %add3A_552, %bitcast3A_580 : vector<16xf32>
        %add3A_585 = arith.addf %add3A_553, %bitcast3A_583 : vector<16xf32>
        %scan3A_586 = arith.constant 5 : i32
        %scan3A_587 = arith.addi %scan3A_426, %scan3A_586 : i32
        %get3A_588 = arith.constant 2 : i32
        %get3A_589 = arith.index_cast %get3A_588 : i32 to index
        %get3A_590 = arith.index_cast %scan3A_587 : i32 to index
        %get3A_591 = arith.constant 0 : index
        %get3A_592 = tpu.vector_load %arg7[%get3A_589, %get3A_590, %get3A_591] {strides = array<i32>} : memref<4x200x64xbf16, #tpu.memory_space<vmem>>, vector<32xbf16>,
        %bitcast3A_593 = vector.bitcast %get3A_592 : vector<32xbf16> to vector<16xi32>
        %shift_left3A_594 = arith.constant 16 : i32
        %shift_left3A_595 = vector.broadcast %shift_left3A_594 : i32 to vector<16xi32>
        %shift_left3A_596 = arith.shli %bitcast3A_593, %shift_left3A_595 : vector<16xi32>
        %bitcast3A_597 = vector.bitcast %shift_left3A_596 : vector<16xi32> to vector<16xf32>
        %and3A_598 = vector.broadcast %scan3A_305 : i32 to vector<16xi32>
        %and3A_599 = arith.andi %bitcast3A_593, %and3A_598 : vector<16xi32>
        %bitcast3A_600 = vector.bitcast %and3A_599 : vector<16xi32> to vector<16xf32>
        %add3A_601 = arith.addf %add3A_569, %bitcast3A_597 : vector<16xf32>
        %add3A_602 = arith.addf %add3A_570, %bitcast3A_600 : vector<16xf32>
        %get3A_603 = arith.constant 2 : i32
        %get3A_604 = arith.index_cast %get3A_603 : i32 to index
        %get3A_605 = arith.index_cast %scan3A_587 : i32 to index
        %get3A_606 = arith.constant 32 : index
        %get3A_607 = tpu.vector_load %arg7[%get3A_604, %get3A_605, %get3A_606] {strides = array<i32>} : memref<4x200x64xbf16, #tpu.memory_space<vmem>>, vector<32xbf16>,
        %bitcast3A_608 = vector.bitcast %get3A_607 : vector<32xbf16> to vector<16xi32>
        %shift_left3A_609 = arith.constant 16 : i32
        %shift_left3A_610 = vector.broadcast %shift_left3A_609 : i32 to vector<16xi32>
        %shift_left3A_611 = arith.shli %bitcast3A_608, %shift_left3A_610 : vector<16xi32>
        %bitcast3A_612 = vector.bitcast %shift_left3A_611 : vector<16xi32> to vector<16xf32>
        %and3A_613 = vector.broadcast %scan3A_305 : i32 to vector<16xi32>
        %and3A_614 = arith.andi %bitcast3A_608, %and3A_613 : vector<16xi32>
        %bitcast3A_615 = vector.bitcast %and3A_614 : vector<16xi32> to vector<16xf32>
        %add3A_616 = arith.addf %add3A_584, %bitcast3A_612 : vector<16xf32>
        %add3A_617 = arith.addf %add3A_585, %bitcast3A_615 : vector<16xf32>
        %scan3A_618 = arith.constant 6 : i32
        %scan3A_619 = arith.addi %scan3A_426, %scan3A_618 : i32
        %get3A_620 = arith.constant 2 : i32
        %get3A_621 = arith.index_cast %get3A_620 : i32 to index
        %get3A_622 = arith.index_cast %scan3A_619 : i32 to index
        %get3A_623 = arith.constant 0 : index
        %get3A_624 = tpu.vector_load %arg7[%get3A_621, %get3A_622, %get3A_623] {strides = array<i32>} : memref<4x200x64xbf16, #tpu.memory_space<vmem>>, vector<32xbf16>,
        %bitcast3A_625 = vector.bitcast %get3A_624 : vector<32xbf16> to vector<16xi32>
        %shift_left3A_626 = arith.constant 16 : i32
        %shift_left3A_627 = vector.broadcast %shift_left3A_626 : i32 to vector<16xi32>
        %shift_left3A_628 = arith.shli %bitcast3A_625, %shift_left3A_627 : vector<16xi32>
        %bitcast3A_629 = vector.bitcast %shift_left3A_628 : vector<16xi32> to vector<16xf32>
        %and3A_630 = vector.broadcast %scan3A_305 : i32 to vector<16xi32>
        %and3A_631 = arith.andi %bitcast3A_625, %and3A_630 : vector<16xi32>
        %bitcast3A_632 = vector.bitcast %and3A_631 : vector<16xi32> to vector<16xf32>
        %add3A_633 = arith.addf %add3A_601, %bitcast3A_629 : vector<16xf32>
        %add3A_634 = arith.addf %add3A_602, %bitcast3A_632 : vector<16xf32>
        %get3A_635 = arith.constant 2 : i32
        %get3A_636 = arith.index_cast %get3A_635 : i32 to index
        %get3A_637 = arith.index_cast %scan3A_619 : i32 to index
        %get3A_638 = arith.constant 32 : index
        %get3A_639 = tpu.vector_load %arg7[%get3A_636, %get3A_637, %get3A_638] {strides = array<i32>} : memref<4x200x64xbf16, #tpu.memory_space<vmem>>, vector<32xbf16>,
        %bitcast3A_640 = vector.bitcast %get3A_639 : vector<32xbf16> to vector<16xi32>
        %shift_left3A_641 = arith.constant 16 : i32
        %shift_left3A_642 = vector.broadcast %shift_left3A_641 : i32 to vector<16xi32>
        %shift_left3A_643 = arith.shli %bitcast3A_640, %shift_left3A_642 : vector<16xi32>
        %bitcast3A_644 = vector.bitcast %shift_left3A_643 : vector<16xi32> to vector<16xf32>
        %and3A_645 = vector.broadcast %scan3A_305 : i32 to vector<16xi32>
        %and3A_646 = arith.andi %bitcast3A_640, %and3A_645 : vector<16xi32>
        %bitcast3A_647 = vector.bitcast %and3A_646 : vector<16xi32> to vector<16xf32>
        %add3A_648 = arith.addf %add3A_616, %bitcast3A_644 : vector<16xf32>
        %add3A_649 = arith.addf %add3A_617, %bitcast3A_647 : vector<16xf32>
        %scan3A_650 = arith.constant 7 : i32
        %scan3A_651 = arith.addi %scan3A_426, %scan3A_650 : i32
        %get3A_652 = arith.constant 2 : i32
        %get3A_653 = arith.index_cast %get3A_652 : i32 to index
        %get3A_654 = arith.index_cast %scan3A_651 : i32 to index
        %get3A_655 = arith.constant 0 : index
        %get3A_656 = tpu.vector_load %arg7[%get3A_653, %get3A_654, %get3A_655] {strides = array<i32>} : memref<4x200x64xbf16, #tpu.memory_space<vmem>>, vector<32xbf16>,
        %bitcast3A_657 = vector.bitcast %get3A_656 : vector<32xbf16> to vector<16xi32>
        %shift_left3A_658 = arith.constant 16 : i32
        %shift_left3A_659 = vector.broadcast %shift_left3A_658 : i32 to vector<16xi32>
        %shift_left3A_660 = arith.shli %bitcast3A_657, %shift_left3A_659 : vector<16xi32>
        %bitcast3A_661 = vector.bitcast %shift_left3A_660 : vector<16xi32> to vector<16xf32>
        %and3A_662 = vector.broadcast %scan3A_305 : i32 to vector<16xi32>
        %and3A_663 = arith.andi %bitcast3A_657, %and3A_662 : vector<16xi32>
        %bitcast3A_664 = vector.bitcast %and3A_663 : vector<16xi32> to vector<16xf32>
        %add3A_665 = arith.addf %add3A_633, %bitcast3A_661 : vector<16xf32>
        %add3A_666 = arith.addf %add3A_634, %bitcast3A_664 : vector<16xf32>
        %get3A_667 = arith.constant 2 : i32
        %get3A_668 = arith.index_cast %get3A_667 : i32 to index
        %get3A_669 = arith.index_cast %scan3A_651 : i32 to index
        %get3A_670 = arith.constant 32 : index
        %get3A_671 = tpu.vector_load %arg7[%get3A_668, %get3A_669, %get3A_670] {strides = array<i32>} : memref<4x200x64xbf16, #tpu.memory_space<vmem>>, vector<32xbf16>,
        %bitcast3A_672 = vector.bitcast %get3A_671 : vector<32xbf16> to vector<16xi32>
        %shift_left3A_673 = arith.constant 16 : i32
        %shift_left3A_674 = vector.broadcast %shift_left3A_673 : i32 to vector<16xi32>
        %shift_left3A_675 = arith.shli %bitcast3A_672, %shift_left3A_674 : vector<16xi32>
        %bitcast3A_676 = vector.bitcast %shift_left3A_675 : vector<16xi32> to vector<16xf32>
        %and3A_677 = vector.broadcast %scan3A_305 : i32 to vector<16xi32>
        %and3A_678 = arith.andi %bitcast3A_672, %and3A_677 : vector<16xi32>
        %bitcast3A_679 = vector.bitcast %and3A_678 : vector<16xi32> to vector<16xf32>
        %add3A_680 = arith.addf %add3A_648, %bitcast3A_676 : vector<16xf32>
        %add3A_681 = arith.addf %add3A_649, %bitcast3A_679 : vector<16xf32>
        scf.yield %add3A_665, %add3A_666, %add3A_680, %add3A_681 : vector<16xf32>, vector<16xf32>, vector<16xf32>, vector<16xf32>
      }
      %scan3A_311 = arith.constant 200 : i32
      %broadcast_in_dim3A_312 = vector.broadcast %sub3A_300 : i32 to vector<16xi32>
      %add3A_313 = arith.constant 0 : i32
      %add3A_314 = arith.addi %mul3A_302, %add3A_313 : i32
      %add3A_315 = arith.constant 0 : i32
      %add3A_316 = arith.addi %add3A_314, %add3A_315 : i32
      %add3A_317 = vector.broadcast %add3A_316 : i32 to vector<16xi32>
      %add3A_318 = arith.addi %mul3A_5, %add3A_317 : vector<16xi32>
      tpu.vector_store_idx %arg8[%broadcast_in_dim3A_312, %add3A_318], %scan3A_310#0 : memref<128x128xf32, #tpu.memory_space<vmem>>[vector<16xi32>, vector<16xi32>], vector<16xf32>,
      %add3A_319 = arith.constant 0 : i32
      %add3A_320 = arith.addi %mul3A_302, %add3A_319 : i32
      %add3A_321 = arith.constant 1 : i32
      %add3A_322 = arith.addi %add3A_320, %add3A_321 : i32
      %add3A_323 = vector.broadcast %add3A_322 : i32 to vector<16xi32>
      %add3A_324 = arith.addi %mul3A_5, %add3A_323 : vector<16xi32>
      tpu.vector_store_idx %arg8[%broadcast_in_dim3A_312, %add3A_324], %scan3A_310#1 : memref<128x128xf32, #tpu.memory_space<vmem>>[vector<16xi32>, vector<16xi32>], vector<16xf32>,
      %add3A_325 = arith.constant 32 : i32
      %add3A_326 = arith.addi %mul3A_302, %add3A_325 : i32
      %add3A_327 = arith.constant 0 : i32
      %add3A_328 = arith.addi %add3A_326, %add3A_327 : i32
      %add3A_329 = vector.broadcast %add3A_328 : i32 to vector<16xi32>
      %add3A_330 = arith.addi %mul3A_5, %add3A_329 : vector<16xi32>
      tpu.vector_store_idx %arg8[%broadcast_in_dim3A_312, %add3A_330], %scan3A_310#2 : memref<128x128xf32, #tpu.memory_space<vmem>>[vector<16xi32>, vector<16xi32>], vector<16xf32>,
      %add3A_331 = arith.constant 32 : i32
      %add3A_332 = arith.addi %mul3A_302, %add3A_331 : i32
      %add3A_333 = arith.constant 1 : i32
      %add3A_334 = arith.addi %add3A_332, %add3A_333 : i32
      %add3A_335 = vector.broadcast %add3A_334 : i32 to vector<16xi32>
      %add3A_336 = arith.addi %mul3A_5, %add3A_335 : vector<16xi32>
      tpu.vector_store_idx %arg8[%broadcast_in_dim3A_312, %add3A_336], %scan3A_310#3 : memref<128x128xf32, #tpu.memory_space<vmem>>[vector<16xi32>, vector<16xi32>], vector<16xf32>,
      %mul3A_337 = arith.constant 4 : i32
      %mul3A_338 = arith.muli %mul3A_337, %scan3A_82 : i32
      %add3A_339 = arith.constant 3 : i32
      %add3A_340 = arith.addi %mul3A_338, %add3A_339 : i32
      %dma_wait3A_341 = arith.constant 3 : i32
      %dma_wait3A_342 = arith.constant 0 : i32
      %dma_wait3A_343 = arith.constant 0 : i32
      %dma_wait3A_344 = tpu.memref_slice %arg7[%dma_wait3A_341, %dma_wait3A_342, %dma_wait3A_343] : memref<4x200x64xbf16, #tpu.memory_space<vmem>> -> memref<1x200x64xbf16, #tpu.memory_space<vmem>>
      %dma_wait3A_345 = tpu.memref_squeeze %dma_wait3A_344 : memref<1x200x64xbf16, #tpu.memory_space<vmem>> -> memref<200x64xbf16, #tpu.memory_space<vmem>>
      %dma_wait3A_346 = arith.constant 0 : i32
      %dma_wait3A_347 = arith.constant 0 : i32
      %dma_wait3A_348 = tpu.memref_slice %arg4[%dma_wait3A_346, %dma_wait3A_347] : memref<100000x64xbf16, #tpu.memory_space<hbm>> -> memref<200x64xbf16, #tpu.memory_space<hbm>>
      %dma_wait3A_349 = arith.constant 0 : i32
      %dma_wait3A_350 = arith.constant 0 : i32
      %dma_wait3A_351 = tpu.memref_slice %arg7[%dma_wait3A_341, %dma_wait3A_349, %dma_wait3A_350] : memref<4x200x64xbf16, #tpu.memory_space<vmem>> -> memref<1x200x64xbf16, #tpu.memory_space<vmem>>
      %dma_wait3A_352 = tpu.memref_squeeze %dma_wait3A_351 : memref<1x200x64xbf16, #tpu.memory_space<vmem>> -> memref<200x64xbf16, #tpu.memory_space<vmem>>
      %dma_wait3A_353 = arith.constant 0 : i32
      %dma_wait3A_354 = arith.constant 0 : i32
      %dma_wait3A_355 = tpu.memref_slice %arg4[%dma_wait3A_353, %dma_wait3A_354] : memref<100000x64xbf16, #tpu.memory_space<hbm>> -> memref<200x64xbf16, #tpu.memory_space<hbm>>
      tpu.wait_dma2 semaphore(%arg12 : memref<!tpu.dma_semaphore, #tpu.memory_space<semaphore_mem>>) src(%dma_wait3A_355 : memref<200x64xbf16, #tpu.memory_space<hbm>>) dst(%dma_wait3A_352 : memref<200x64xbf16, #tpu.memory_space<vmem>>)
      %add3A_356 = arith.constant 3 : i32
      %add3A_357 = arith.addi %add3A_340, %add3A_356 : i32
      %lt3A_358 = arith.constant 256 : i32
      %lt3A_359 = arith.cmpi slt, %add3A_357, %lt3A_358 : i32
      %convert_element_type3A_360 = arith.extui %lt3A_359 : i1 to i32
      %cond3A_361 = arith.constant 0 : i32
      %cond3A_362 = arith.cmpi ne, %convert_element_type3A_360, %cond3A_361 : i32
      scf.if %cond3A_362 {
        %add3A_426 = arith.constant 3 : i32
        %add3A_427 = arith.addi %add3A_340, %add3A_426 : i32
        %dma_start3A_428 = arith.constant 2 : i32
        %dma_start3A_429 = arith.constant 0 : i32
        %dma_start3A_430 = arith.constant 0 : i32
        %dma_start3A_431 = tpu.memref_slice %arg7[%dma_start3A_428, %dma_start3A_429, %dma_start3A_430] : memref<4x200x64xbf16, #tpu.memory_space<vmem>> -> memref<1x96x64xbf16, #tpu.memory_space<vmem>>
        %dma_start3A_432 = tpu.memref_squeeze %dma_start3A_431 : memref<1x96x64xbf16, #tpu.memory_space<vmem>> -> memref<96x64xbf16, #tpu.memory_space<vmem>>
        %dma_start3A_433 = arith.constant 0 : i32
        %dma_start3A_434 = tpu.memref_slice %arg6[%add3A_427, %dma_start3A_433] : memref<256x200xi32, #tpu.memory_space<vmem>> -> memref<1x96xi32, #tpu.memory_space<vmem>>
        %dma_start3A_435 = tpu.memref_squeeze %dma_start3A_434 : memref<1x96xi32, #tpu.memory_space<vmem>> -> memref<96xi32, #tpu.memory_space<vmem>>
        %dma_start3A_436 = arith.constant 0 : i32
        %dma_start3A_437 = arith.constant 0 : i32
        %dma_start3A_438 = tpu.memref_slice %arg4[%dma_start3A_436, %dma_start3A_437] : memref<100000x64xbf16, #tpu.memory_space<hbm>> -> memref<100000x64xbf16, #tpu.memory_space<hbm>>
        tpu.enqueue_indirect_dma source(%dma_start3A_438 : memref<100000x64xbf16, #tpu.memory_space<hbm>>) target(%dma_start3A_432 : memref<96x64xbf16, #tpu.memory_space<vmem>>) offsets(%dma_start3A_435 : memref<96xi32, #tpu.memory_space<vmem>>) semaphore(%arg11 : memref<!tpu.dma_semaphore, #tpu.memory_space<semaphore_mem>>)
        %dma_start3A_439 = arith.constant 2 : i32
        %dma_start3A_440 = arith.constant 96 : i32
        %dma_start3A_441 = arith.constant 0 : i32
        %dma_start3A_442 = tpu.memref_slice %arg7[%dma_start3A_439, %dma_start3A_440, %dma_start3A_441] : memref<4x200x64xbf16, #tpu.memory_space<vmem>> -> memref<1x104x64xbf16, #tpu.memory_space<vmem>>
        %dma_start3A_443 = tpu.memref_squeeze %dma_start3A_442 : memref<1x104x64xbf16, #tpu.memory_space<vmem>> -> memref<104x64xbf16, #tpu.memory_space<vmem>>
        %dma_start3A_444 = arith.constant 96 : i32
        %dma_start3A_445 = tpu.memref_slice %arg6[%add3A_427, %dma_start3A_444] : memref<256x200xi32, #tpu.memory_space<vmem>> -> memref<1x104xi32, #tpu.memory_space<vmem>>
        %dma_start3A_446 = tpu.memref_squeeze %dma_start3A_445 : memref<1x104xi32, #tpu.memory_space<vmem>> -> memref<104xi32, #tpu.memory_space<vmem>>
        %dma_start3A_447 = arith.constant 0 : i32
        %dma_start3A_448 = arith.constant 0 : i32
        %dma_start3A_449 = tpu.memref_slice %arg4[%dma_start3A_447, %dma_start3A_448] : memref<100000x64xbf16, #tpu.memory_space<hbm>> -> memref<100000x64xbf16, #tpu.memory_space<hbm>>
        tpu.enqueue_indirect_dma source(%dma_start3A_449 : memref<100000x64xbf16, #tpu.memory_space<hbm>>) target(%dma_start3A_443 : memref<104x64xbf16, #tpu.memory_space<vmem>>) offsets(%dma_start3A_446 : memref<104xi32, #tpu.memory_space<vmem>>) semaphore(%arg11 : memref<!tpu.dma_semaphore, #tpu.memory_space<semaphore_mem>>)
      } else {
      }
      %jit3A_363 = arith.constant 128 : i32
      %div3A_364 = arith.divsi %add3A_340, %jit3A_363 : i32
      %sign3A_365 = arith.constant 0 : i32
      %sign3A_366 = arith.cmpi sgt, %add3A_340, %sign3A_365 : i32
      %sign3A_367 = arith.extui %sign3A_366 : i1 to i32
      %sign3A_368 = arith.constant 0 : i32
      %sign3A_369 = arith.cmpi slt, %add3A_340, %sign3A_368 : i32
      %sign3A_370 = arith.extui %sign3A_369 : i1 to i32
      %sign3A_371 = arith.subi %sign3A_367, %sign3A_370 : i32
      %sign3A_372 = arith.constant 0 : i32
      %sign3A_373 = arith.cmpi sgt, %jit3A_363, %sign3A_372 : i32
      %sign3A_374 = arith.extui %sign3A_373 : i1 to i32
      %sign3A_375 = arith.constant 0 : i32
      %sign3A_376 = arith.cmpi slt, %jit3A_363, %sign3A_375 : i32
      %sign3A_377 = arith.extui %sign3A_376 : i1 to i32
      %sign3A_378 = arith.subi %sign3A_374, %sign3A_377 : i32
      %ne3A_379 = arith.cmpi ne, %sign3A_371, %sign3A_378 : i32
      %rem3A_380 = arith.remsi %add3A_340, %jit3A_363 : i32
      %ne3A_381 = arith.constant 0 : i32
      %ne3A_382 = arith.cmpi ne, %rem3A_380, %ne3A_381 : i32
      %and3A_383 = arith.andi %ne3A_379, %ne3A_382 : i1
      %sub3A_384 = arith.constant 1 : i32
      %sub3A_385 = arith.subi %div3A_364, %sub3A_384 : i32
      %select_n3A_386 = arith.select %and3A_383, %sub3A_385, %div3A_364 : i32
      %mul3A_387 = arith.constant 128 : i32
      %mul3A_388 = arith.muli %select_n3A_386, %mul3A_387 : i32
      %sub3A_389 = arith.subi %add3A_340, %mul3A_388 : i32
      %mul3A_390 = arith.constant 64 : i32
      %mul3A_391 = arith.muli %select_n3A_386, %mul3A_390 : i32
      %broadcast_in_dim3A_392 = arith.constant 0.000000e+00 : f32
      %broadcast_in_dim3A_393 = vector.broadcast %broadcast_in_dim3A_392 : f32 to vector<16xf32>
      %scan3A_394 = arith.constant -65536 : i32
      %scan3A_395 = arith.constant 0 : i32
      %scan3A_396 = arith.constant 200 : i32
      %scan3A_397 = arith.addi %scan3A_395, %scan3A_396 : i32
      %scan3A_398 = arith.constant 8 : i32
      %scan3A_399:4 = scf.for %scan3A_426 = %scan3A_395 to %scan3A_397 step %scan3A_398 iter_args(%scan3A_427 = %broadcast_in_dim3A_393, %scan3A_428 = %broadcast_in_dim3A_393, %scan3A_429 = %broadcast_in_dim3A_393, %scan3A_430 = %broadcast_in_dim3A_393) -> (vector<16xf32>, vector<16xf32>, vector<16xf32>, vector<16xf32>)  : i32 {
        %get3A = arith.constant 3 : i32
        %get3A_431 = arith.index_cast %get3A : i32 to index
        %get3A_432 = arith.index_cast %scan3A_426 : i32 to index
        %get3A_433 = arith.constant 0 : index
        %get3A_434 = tpu.vector_load %arg7[%get3A_431, %get3A_432, %get3A_433] {strides = array<i32>} : memref<4x200x64xbf16, #tpu.memory_space<vmem>>, vector<32xbf16>,
        %bitcast3A = vector.bitcast %get3A_434 : vector<32xbf16> to vector<16xi32>
        %shift_left3A = arith.constant 16 : i32
        %shift_left3A_435 = vector.broadcast %shift_left3A : i32 to vector<16xi32>
        %shift_left3A_436 = arith.shli %bitcast3A, %shift_left3A_435 : vector<16xi32>
        %bitcast3A_437 = vector.bitcast %shift_left3A_436 : vector<16xi32> to vector<16xf32>
        %and3A_438 = vector.broadcast %scan3A_394 : i32 to vector<16xi32>
        %and3A_439 = arith.andi %bitcast3A, %and3A_438 : vector<16xi32>
        %bitcast3A_440 = vector.bitcast %and3A_439 : vector<16xi32> to vector<16xf32>
        %add3A_441 = arith.addf %scan3A_427, %bitcast3A_437 : vector<16xf32>
        %add3A_442 = arith.addf %scan3A_428, %bitcast3A_440 : vector<16xf32>
        %get3A_443 = arith.constant 3 : i32
        %get3A_444 = arith.index_cast %get3A_443 : i32 to index
        %get3A_445 = arith.index_cast %scan3A_426 : i32 to index
        %get3A_446 = arith.constant 32 : index
        %get3A_447 = tpu.vector_load %arg7[%get3A_444, %get3A_445, %get3A_446] {strides = array<i32>} : memref<4x200x64xbf16, #tpu.memory_space<vmem>>, vector<32xbf16>,
        %bitcast3A_448 = vector.bitcast %get3A_447 : vector<32xbf16> to vector<16xi32>
        %shift_left3A_449 = arith.constant 16 : i32
        %shift_left3A_450 = vector.broadcast %shift_left3A_449 : i32 to vector<16xi32>
        %shift_left3A_451 = arith.shli %bitcast3A_448, %shift_left3A_450 : vector<16xi32>
        %bitcast3A_452 = vector.bitcast %shift_left3A_451 : vector<16xi32> to vector<16xf32>
        %and3A_453 = vector.broadcast %scan3A_394 : i32 to vector<16xi32>
        %and3A_454 = arith.andi %bitcast3A_448, %and3A_453 : vector<16xi32>
        %bitcast3A_455 = vector.bitcast %and3A_454 : vector<16xi32> to vector<16xf32>
        %add3A_456 = arith.addf %scan3A_429, %bitcast3A_452 : vector<16xf32>
        %add3A_457 = arith.addf %scan3A_430, %bitcast3A_455 : vector<16xf32>
        %scan3A_458 = arith.constant 1 : i32
        %scan3A_459 = arith.addi %scan3A_426, %scan3A_458 : i32
        %get3A_460 = arith.constant 3 : i32
        %get3A_461 = arith.index_cast %get3A_460 : i32 to index
        %get3A_462 = arith.index_cast %scan3A_459 : i32 to index
        %get3A_463 = arith.constant 0 : index
        %get3A_464 = tpu.vector_load %arg7[%get3A_461, %get3A_462, %get3A_463] {strides = array<i32>} : memref<4x200x64xbf16, #tpu.memory_space<vmem>>, vector<32xbf16>,
        %bitcast3A_465 = vector.bitcast %get3A_464 : vector<32xbf16> to vector<16xi32>
        %shift_left3A_466 = arith.constant 16 : i32
        %shift_left3A_467 = vector.broadcast %shift_left3A_466 : i32 to vector<16xi32>
        %shift_left3A_468 = arith.shli %bitcast3A_465, %shift_left3A_467 : vector<16xi32>
        %bitcast3A_469 = vector.bitcast %shift_left3A_468 : vector<16xi32> to vector<16xf32>
        %and3A_470 = vector.broadcast %scan3A_394 : i32 to vector<16xi32>
        %and3A_471 = arith.andi %bitcast3A_465, %and3A_470 : vector<16xi32>
        %bitcast3A_472 = vector.bitcast %and3A_471 : vector<16xi32> to vector<16xf32>
        %add3A_473 = arith.addf %add3A_441, %bitcast3A_469 : vector<16xf32>
        %add3A_474 = arith.addf %add3A_442, %bitcast3A_472 : vector<16xf32>
        %get3A_475 = arith.constant 3 : i32
        %get3A_476 = arith.index_cast %get3A_475 : i32 to index
        %get3A_477 = arith.index_cast %scan3A_459 : i32 to index
        %get3A_478 = arith.constant 32 : index
        %get3A_479 = tpu.vector_load %arg7[%get3A_476, %get3A_477, %get3A_478] {strides = array<i32>} : memref<4x200x64xbf16, #tpu.memory_space<vmem>>, vector<32xbf16>,
        %bitcast3A_480 = vector.bitcast %get3A_479 : vector<32xbf16> to vector<16xi32>
        %shift_left3A_481 = arith.constant 16 : i32
        %shift_left3A_482 = vector.broadcast %shift_left3A_481 : i32 to vector<16xi32>
        %shift_left3A_483 = arith.shli %bitcast3A_480, %shift_left3A_482 : vector<16xi32>
        %bitcast3A_484 = vector.bitcast %shift_left3A_483 : vector<16xi32> to vector<16xf32>
        %and3A_485 = vector.broadcast %scan3A_394 : i32 to vector<16xi32>
        %and3A_486 = arith.andi %bitcast3A_480, %and3A_485 : vector<16xi32>
        %bitcast3A_487 = vector.bitcast %and3A_486 : vector<16xi32> to vector<16xf32>
        %add3A_488 = arith.addf %add3A_456, %bitcast3A_484 : vector<16xf32>
        %add3A_489 = arith.addf %add3A_457, %bitcast3A_487 : vector<16xf32>
        %scan3A_490 = arith.constant 2 : i32
        %scan3A_491 = arith.addi %scan3A_426, %scan3A_490 : i32
        %get3A_492 = arith.constant 3 : i32
        %get3A_493 = arith.index_cast %get3A_492 : i32 to index
        %get3A_494 = arith.index_cast %scan3A_491 : i32 to index
        %get3A_495 = arith.constant 0 : index
        %get3A_496 = tpu.vector_load %arg7[%get3A_493, %get3A_494, %get3A_495] {strides = array<i32>} : memref<4x200x64xbf16, #tpu.memory_space<vmem>>, vector<32xbf16>,
        %bitcast3A_497 = vector.bitcast %get3A_496 : vector<32xbf16> to vector<16xi32>
        %shift_left3A_498 = arith.constant 16 : i32
        %shift_left3A_499 = vector.broadcast %shift_left3A_498 : i32 to vector<16xi32>
        %shift_left3A_500 = arith.shli %bitcast3A_497, %shift_left3A_499 : vector<16xi32>
        %bitcast3A_501 = vector.bitcast %shift_left3A_500 : vector<16xi32> to vector<16xf32>
        %and3A_502 = vector.broadcast %scan3A_394 : i32 to vector<16xi32>
        %and3A_503 = arith.andi %bitcast3A_497, %and3A_502 : vector<16xi32>
        %bitcast3A_504 = vector.bitcast %and3A_503 : vector<16xi32> to vector<16xf32>
        %add3A_505 = arith.addf %add3A_473, %bitcast3A_501 : vector<16xf32>
        %add3A_506 = arith.addf %add3A_474, %bitcast3A_504 : vector<16xf32>
        %get3A_507 = arith.constant 3 : i32
        %get3A_508 = arith.index_cast %get3A_507 : i32 to index
        %get3A_509 = arith.index_cast %scan3A_491 : i32 to index
        %get3A_510 = arith.constant 32 : index
        %get3A_511 = tpu.vector_load %arg7[%get3A_508, %get3A_509, %get3A_510] {strides = array<i32>} : memref<4x200x64xbf16, #tpu.memory_space<vmem>>, vector<32xbf16>,
        %bitcast3A_512 = vector.bitcast %get3A_511 : vector<32xbf16> to vector<16xi32>
        %shift_left3A_513 = arith.constant 16 : i32
        %shift_left3A_514 = vector.broadcast %shift_left3A_513 : i32 to vector<16xi32>
        %shift_left3A_515 = arith.shli %bitcast3A_512, %shift_left3A_514 : vector<16xi32>
        %bitcast3A_516 = vector.bitcast %shift_left3A_515 : vector<16xi32> to vector<16xf32>
        %and3A_517 = vector.broadcast %scan3A_394 : i32 to vector<16xi32>
        %and3A_518 = arith.andi %bitcast3A_512, %and3A_517 : vector<16xi32>
        %bitcast3A_519 = vector.bitcast %and3A_518 : vector<16xi32> to vector<16xf32>
        %add3A_520 = arith.addf %add3A_488, %bitcast3A_516 : vector<16xf32>
        %add3A_521 = arith.addf %add3A_489, %bitcast3A_519 : vector<16xf32>
        %scan3A_522 = arith.constant 3 : i32
        %scan3A_523 = arith.addi %scan3A_426, %scan3A_522 : i32
        %get3A_524 = arith.constant 3 : i32
        %get3A_525 = arith.index_cast %get3A_524 : i32 to index
        %get3A_526 = arith.index_cast %scan3A_523 : i32 to index
        %get3A_527 = arith.constant 0 : index
        %get3A_528 = tpu.vector_load %arg7[%get3A_525, %get3A_526, %get3A_527] {strides = array<i32>} : memref<4x200x64xbf16, #tpu.memory_space<vmem>>, vector<32xbf16>,
        %bitcast3A_529 = vector.bitcast %get3A_528 : vector<32xbf16> to vector<16xi32>
        %shift_left3A_530 = arith.constant 16 : i32
        %shift_left3A_531 = vector.broadcast %shift_left3A_530 : i32 to vector<16xi32>
        %shift_left3A_532 = arith.shli %bitcast3A_529, %shift_left3A_531 : vector<16xi32>
        %bitcast3A_533 = vector.bitcast %shift_left3A_532 : vector<16xi32> to vector<16xf32>
        %and3A_534 = vector.broadcast %scan3A_394 : i32 to vector<16xi32>
        %and3A_535 = arith.andi %bitcast3A_529, %and3A_534 : vector<16xi32>
        %bitcast3A_536 = vector.bitcast %and3A_535 : vector<16xi32> to vector<16xf32>
        %add3A_537 = arith.addf %add3A_505, %bitcast3A_533 : vector<16xf32>
        %add3A_538 = arith.addf %add3A_506, %bitcast3A_536 : vector<16xf32>
        %get3A_539 = arith.constant 3 : i32
        %get3A_540 = arith.index_cast %get3A_539 : i32 to index
        %get3A_541 = arith.index_cast %scan3A_523 : i32 to index
        %get3A_542 = arith.constant 32 : index
        %get3A_543 = tpu.vector_load %arg7[%get3A_540, %get3A_541, %get3A_542] {strides = array<i32>} : memref<4x200x64xbf16, #tpu.memory_space<vmem>>, vector<32xbf16>,
        %bitcast3A_544 = vector.bitcast %get3A_543 : vector<32xbf16> to vector<16xi32>
        %shift_left3A_545 = arith.constant 16 : i32
        %shift_left3A_546 = vector.broadcast %shift_left3A_545 : i32 to vector<16xi32>
        %shift_left3A_547 = arith.shli %bitcast3A_544, %shift_left3A_546 : vector<16xi32>
        %bitcast3A_548 = vector.bitcast %shift_left3A_547 : vector<16xi32> to vector<16xf32>
        %and3A_549 = vector.broadcast %scan3A_394 : i32 to vector<16xi32>
        %and3A_550 = arith.andi %bitcast3A_544, %and3A_549 : vector<16xi32>
        %bitcast3A_551 = vector.bitcast %and3A_550 : vector<16xi32> to vector<16xf32>
        %add3A_552 = arith.addf %add3A_520, %bitcast3A_548 : vector<16xf32>
        %add3A_553 = arith.addf %add3A_521, %bitcast3A_551 : vector<16xf32>
        %scan3A_554 = arith.constant 4 : i32
        %scan3A_555 = arith.addi %scan3A_426, %scan3A_554 : i32
        %get3A_556 = arith.constant 3 : i32
        %get3A_557 = arith.index_cast %get3A_556 : i32 to index
        %get3A_558 = arith.index_cast %scan3A_555 : i32 to index
        %get3A_559 = arith.constant 0 : index
        %get3A_560 = tpu.vector_load %arg7[%get3A_557, %get3A_558, %get3A_559] {strides = array<i32>} : memref<4x200x64xbf16, #tpu.memory_space<vmem>>, vector<32xbf16>,
        %bitcast3A_561 = vector.bitcast %get3A_560 : vector<32xbf16> to vector<16xi32>
        %shift_left3A_562 = arith.constant 16 : i32
        %shift_left3A_563 = vector.broadcast %shift_left3A_562 : i32 to vector<16xi32>
        %shift_left3A_564 = arith.shli %bitcast3A_561, %shift_left3A_563 : vector<16xi32>
        %bitcast3A_565 = vector.bitcast %shift_left3A_564 : vector<16xi32> to vector<16xf32>
        %and3A_566 = vector.broadcast %scan3A_394 : i32 to vector<16xi32>
        %and3A_567 = arith.andi %bitcast3A_561, %and3A_566 : vector<16xi32>
        %bitcast3A_568 = vector.bitcast %and3A_567 : vector<16xi32> to vector<16xf32>
        %add3A_569 = arith.addf %add3A_537, %bitcast3A_565 : vector<16xf32>
        %add3A_570 = arith.addf %add3A_538, %bitcast3A_568 : vector<16xf32>
        %get3A_571 = arith.constant 3 : i32
        %get3A_572 = arith.index_cast %get3A_571 : i32 to index
        %get3A_573 = arith.index_cast %scan3A_555 : i32 to index
        %get3A_574 = arith.constant 32 : index
        %get3A_575 = tpu.vector_load %arg7[%get3A_572, %get3A_573, %get3A_574] {strides = array<i32>} : memref<4x200x64xbf16, #tpu.memory_space<vmem>>, vector<32xbf16>,
        %bitcast3A_576 = vector.bitcast %get3A_575 : vector<32xbf16> to vector<16xi32>
        %shift_left3A_577 = arith.constant 16 : i32
        %shift_left3A_578 = vector.broadcast %shift_left3A_577 : i32 to vector<16xi32>
        %shift_left3A_579 = arith.shli %bitcast3A_576, %shift_left3A_578 : vector<16xi32>
        %bitcast3A_580 = vector.bitcast %shift_left3A_579 : vector<16xi32> to vector<16xf32>
        %and3A_581 = vector.broadcast %scan3A_394 : i32 to vector<16xi32>
        %and3A_582 = arith.andi %bitcast3A_576, %and3A_581 : vector<16xi32>
        %bitcast3A_583 = vector.bitcast %and3A_582 : vector<16xi32> to vector<16xf32>
        %add3A_584 = arith.addf %add3A_552, %bitcast3A_580 : vector<16xf32>
        %add3A_585 = arith.addf %add3A_553, %bitcast3A_583 : vector<16xf32>
        %scan3A_586 = arith.constant 5 : i32
        %scan3A_587 = arith.addi %scan3A_426, %scan3A_586 : i32
        %get3A_588 = arith.constant 3 : i32
        %get3A_589 = arith.index_cast %get3A_588 : i32 to index
        %get3A_590 = arith.index_cast %scan3A_587 : i32 to index
        %get3A_591 = arith.constant 0 : index
        %get3A_592 = tpu.vector_load %arg7[%get3A_589, %get3A_590, %get3A_591] {strides = array<i32>} : memref<4x200x64xbf16, #tpu.memory_space<vmem>>, vector<32xbf16>,
        %bitcast3A_593 = vector.bitcast %get3A_592 : vector<32xbf16> to vector<16xi32>
        %shift_left3A_594 = arith.constant 16 : i32
        %shift_left3A_595 = vector.broadcast %shift_left3A_594 : i32 to vector<16xi32>
        %shift_left3A_596 = arith.shli %bitcast3A_593, %shift_left3A_595 : vector<16xi32>
        %bitcast3A_597 = vector.bitcast %shift_left3A_596 : vector<16xi32> to vector<16xf32>
        %and3A_598 = vector.broadcast %scan3A_394 : i32 to vector<16xi32>
        %and3A_599 = arith.andi %bitcast3A_593, %and3A_598 : vector<16xi32>
        %bitcast3A_600 = vector.bitcast %and3A_599 : vector<16xi32> to vector<16xf32>
        %add3A_601 = arith.addf %add3A_569, %bitcast3A_597 : vector<16xf32>
        %add3A_602 = arith.addf %add3A_570, %bitcast3A_600 : vector<16xf32>
        %get3A_603 = arith.constant 3 : i32
        %get3A_604 = arith.index_cast %get3A_603 : i32 to index
        %get3A_605 = arith.index_cast %scan3A_587 : i32 to index
        %get3A_606 = arith.constant 32 : index
        %get3A_607 = tpu.vector_load %arg7[%get3A_604, %get3A_605, %get3A_606] {strides = array<i32>} : memref<4x200x64xbf16, #tpu.memory_space<vmem>>, vector<32xbf16>,
        %bitcast3A_608 = vector.bitcast %get3A_607 : vector<32xbf16> to vector<16xi32>
        %shift_left3A_609 = arith.constant 16 : i32
        %shift_left3A_610 = vector.broadcast %shift_left3A_609 : i32 to vector<16xi32>
        %shift_left3A_611 = arith.shli %bitcast3A_608, %shift_left3A_610 : vector<16xi32>
        %bitcast3A_612 = vector.bitcast %shift_left3A_611 : vector<16xi32> to vector<16xf32>
        %and3A_613 = vector.broadcast %scan3A_394 : i32 to vector<16xi32>
        %and3A_614 = arith.andi %bitcast3A_608, %and3A_613 : vector<16xi32>
        %bitcast3A_615 = vector.bitcast %and3A_614 : vector<16xi32> to vector<16xf32>
        %add3A_616 = arith.addf %add3A_584, %bitcast3A_612 : vector<16xf32>
        %add3A_617 = arith.addf %add3A_585, %bitcast3A_615 : vector<16xf32>
        %scan3A_618 = arith.constant 6 : i32
        %scan3A_619 = arith.addi %scan3A_426, %scan3A_618 : i32
        %get3A_620 = arith.constant 3 : i32
        %get3A_621 = arith.index_cast %get3A_620 : i32 to index
        %get3A_622 = arith.index_cast %scan3A_619 : i32 to index
        %get3A_623 = arith.constant 0 : index
        %get3A_624 = tpu.vector_load %arg7[%get3A_621, %get3A_622, %get3A_623] {strides = array<i32>} : memref<4x200x64xbf16, #tpu.memory_space<vmem>>, vector<32xbf16>,
        %bitcast3A_625 = vector.bitcast %get3A_624 : vector<32xbf16> to vector<16xi32>
        %shift_left3A_626 = arith.constant 16 : i32
        %shift_left3A_627 = vector.broadcast %shift_left3A_626 : i32 to vector<16xi32>
        %shift_left3A_628 = arith.shli %bitcast3A_625, %shift_left3A_627 : vector<16xi32>
        %bitcast3A_629 = vector.bitcast %shift_left3A_628 : vector<16xi32> to vector<16xf32>
        %and3A_630 = vector.broadcast %scan3A_394 : i32 to vector<16xi32>
        %and3A_631 = arith.andi %bitcast3A_625, %and3A_630 : vector<16xi32>
        %bitcast3A_632 = vector.bitcast %and3A_631 : vector<16xi32> to vector<16xf32>
        %add3A_633 = arith.addf %add3A_601, %bitcast3A_629 : vector<16xf32>
        %add3A_634 = arith.addf %add3A_602, %bitcast3A_632 : vector<16xf32>
        %get3A_635 = arith.constant 3 : i32
        %get3A_636 = arith.index_cast %get3A_635 : i32 to index
        %get3A_637 = arith.index_cast %scan3A_619 : i32 to index
        %get3A_638 = arith.constant 32 : index
        %get3A_639 = tpu.vector_load %arg7[%get3A_636, %get3A_637, %get3A_638] {strides = array<i32>} : memref<4x200x64xbf16, #tpu.memory_space<vmem>>, vector<32xbf16>,
        %bitcast3A_640 = vector.bitcast %get3A_639 : vector<32xbf16> to vector<16xi32>
        %shift_left3A_641 = arith.constant 16 : i32
        %shift_left3A_642 = vector.broadcast %shift_left3A_641 : i32 to vector<16xi32>
        %shift_left3A_643 = arith.shli %bitcast3A_640, %shift_left3A_642 : vector<16xi32>
        %bitcast3A_644 = vector.bitcast %shift_left3A_643 : vector<16xi32> to vector<16xf32>
        %and3A_645 = vector.broadcast %scan3A_394 : i32 to vector<16xi32>
        %and3A_646 = arith.andi %bitcast3A_640, %and3A_645 : vector<16xi32>
        %bitcast3A_647 = vector.bitcast %and3A_646 : vector<16xi32> to vector<16xf32>
        %add3A_648 = arith.addf %add3A_616, %bitcast3A_644 : vector<16xf32>
        %add3A_649 = arith.addf %add3A_617, %bitcast3A_647 : vector<16xf32>
        %scan3A_650 = arith.constant 7 : i32
        %scan3A_651 = arith.addi %scan3A_426, %scan3A_650 : i32
        %get3A_652 = arith.constant 3 : i32
        %get3A_653 = arith.index_cast %get3A_652 : i32 to index
        %get3A_654 = arith.index_cast %scan3A_651 : i32 to index
        %get3A_655 = arith.constant 0 : index
        %get3A_656 = tpu.vector_load %arg7[%get3A_653, %get3A_654, %get3A_655] {strides = array<i32>} : memref<4x200x64xbf16, #tpu.memory_space<vmem>>, vector<32xbf16>,
        %bitcast3A_657 = vector.bitcast %get3A_656 : vector<32xbf16> to vector<16xi32>
        %shift_left3A_658 = arith.constant 16 : i32
        %shift_left3A_659 = vector.broadcast %shift_left3A_658 : i32 to vector<16xi32>
        %shift_left3A_660 = arith.shli %bitcast3A_657, %shift_left3A_659 : vector<16xi32>
        %bitcast3A_661 = vector.bitcast %shift_left3A_660 : vector<16xi32> to vector<16xf32>
        %and3A_662 = vector.broadcast %scan3A_394 : i32 to vector<16xi32>
        %and3A_663 = arith.andi %bitcast3A_657, %and3A_662 : vector<16xi32>
        %bitcast3A_664 = vector.bitcast %and3A_663 : vector<16xi32> to vector<16xf32>
        %add3A_665 = arith.addf %add3A_633, %bitcast3A_661 : vector<16xf32>
        %add3A_666 = arith.addf %add3A_634, %bitcast3A_664 : vector<16xf32>
        %get3A_667 = arith.constant 3 : i32
        %get3A_668 = arith.index_cast %get3A_667 : i32 to index
        %get3A_669 = arith.index_cast %scan3A_651 : i32 to index
        %get3A_670 = arith.constant 32 : index
        %get3A_671 = tpu.vector_load %arg7[%get3A_668, %get3A_669, %get3A_670] {strides = array<i32>} : memref<4x200x64xbf16, #tpu.memory_space<vmem>>, vector<32xbf16>,
        %bitcast3A_672 = vector.bitcast %get3A_671 : vector<32xbf16> to vector<16xi32>
        %shift_left3A_673 = arith.constant 16 : i32
        %shift_left3A_674 = vector.broadcast %shift_left3A_673 : i32 to vector<16xi32>
        %shift_left3A_675 = arith.shli %bitcast3A_672, %shift_left3A_674 : vector<16xi32>
        %bitcast3A_676 = vector.bitcast %shift_left3A_675 : vector<16xi32> to vector<16xf32>
        %and3A_677 = vector.broadcast %scan3A_394 : i32 to vector<16xi32>
        %and3A_678 = arith.andi %bitcast3A_672, %and3A_677 : vector<16xi32>
        %bitcast3A_679 = vector.bitcast %and3A_678 : vector<16xi32> to vector<16xf32>
        %add3A_680 = arith.addf %add3A_648, %bitcast3A_676 : vector<16xf32>
        %add3A_681 = arith.addf %add3A_649, %bitcast3A_679 : vector<16xf32>
        scf.yield %add3A_665, %add3A_666, %add3A_680, %add3A_681 : vector<16xf32>, vector<16xf32>, vector<16xf32>, vector<16xf32>
      }
      %scan3A_400 = arith.constant 200 : i32
      %broadcast_in_dim3A_401 = vector.broadcast %sub3A_389 : i32 to vector<16xi32>
      %add3A_402 = arith.constant 0 : i32
      %add3A_403 = arith.addi %mul3A_391, %add3A_402 : i32
      %add3A_404 = arith.constant 0 : i32
      %add3A_405 = arith.addi %add3A_403, %add3A_404 : i32
      %add3A_406 = vector.broadcast %add3A_405 : i32 to vector<16xi32>
      %add3A_407 = arith.addi %mul3A_5, %add3A_406 : vector<16xi32>
      tpu.vector_store_idx %arg8[%broadcast_in_dim3A_401, %add3A_407], %scan3A_399#0 : memref<128x128xf32, #tpu.memory_space<vmem>>[vector<16xi32>, vector<16xi32>], vector<16xf32>,
      %add3A_408 = arith.constant 0 : i32
      %add3A_409 = arith.addi %mul3A_391, %add3A_408 : i32
      %add3A_410 = arith.constant 1 : i32
      %add3A_411 = arith.addi %add3A_409, %add3A_410 : i32
      %add3A_412 = vector.broadcast %add3A_411 : i32 to vector<16xi32>
      %add3A_413 = arith.addi %mul3A_5, %add3A_412 : vector<16xi32>
      tpu.vector_store_idx %arg8[%broadcast_in_dim3A_401, %add3A_413], %scan3A_399#1 : memref<128x128xf32, #tpu.memory_space<vmem>>[vector<16xi32>, vector<16xi32>], vector<16xf32>,
      %add3A_414 = arith.constant 32 : i32
      %add3A_415 = arith.addi %mul3A_391, %add3A_414 : i32
      %add3A_416 = arith.constant 0 : i32
      %add3A_417 = arith.addi %add3A_415, %add3A_416 : i32
      %add3A_418 = vector.broadcast %add3A_417 : i32 to vector<16xi32>
      %add3A_419 = arith.addi %mul3A_5, %add3A_418 : vector<16xi32>
      tpu.vector_store_idx %arg8[%broadcast_in_dim3A_401, %add3A_419], %scan3A_399#2 : memref<128x128xf32, #tpu.memory_space<vmem>>[vector<16xi32>, vector<16xi32>], vector<16xf32>,
      %add3A_420 = arith.constant 32 : i32
      %add3A_421 = arith.addi %mul3A_391, %add3A_420 : i32
      %add3A_422 = arith.constant 1 : i32
      %add3A_423 = arith.addi %add3A_421, %add3A_422 : i32
      %add3A_424 = vector.broadcast %add3A_423 : i32 to vector<16xi32>
      %add3A_425 = arith.addi %mul3A_5, %add3A_424 : vector<16xi32>
      tpu.vector_store_idx %arg8[%broadcast_in_dim3A_401, %add3A_425], %scan3A_399#3 : memref<128x128xf32, #tpu.memory_space<vmem>>[vector<16xi32>, vector<16xi32>], vector<16xf32>,
    }
    %scan3A_81 = arith.constant 64 : i32
    "tpu.region"() ({
      %run_scoped3A = tpu.sem_alloc : memref<!tpu.dma_semaphore, #tpu.memory_space<semaphore_mem>>
      %dma_start3A_82 = arith.constant 0 : i32
      %dma_start3A_83 = tpu.memref_slice %arg5[%mul3A_2, %dma_start3A_82] : memref<4096x128xf32, #tpu.memory_space<hbm>> -> memref<128x128xf32, #tpu.memory_space<hbm>>
      %dma_start3A_84 = arith.constant 0 : i32
      %dma_start3A_85 = tpu.memref_slice %arg5[%mul3A_2, %dma_start3A_84] : memref<4096x128xf32, #tpu.memory_space<hbm>> -> memref<128x128xf32, #tpu.memory_space<hbm>>
      tpu.enqueue_dma source(%arg8 : memref<128x128xf32, #tpu.memory_space<vmem>>) target(%dma_start3A_85 : memref<128x128xf32, #tpu.memory_space<hbm>>) target_semaphore(%run_scoped3A : memref<!tpu.dma_semaphore, #tpu.memory_space<semaphore_mem>>)
      %dma_wait3A = arith.constant 0 : i32
      %dma_wait3A_86 = tpu.memref_slice %arg5[%mul3A_2, %dma_wait3A] : memref<4096x128xf32, #tpu.memory_space<hbm>> -> memref<128x128xf32, #tpu.memory_space<hbm>>
      %dma_wait3A_87 = arith.constant 0 : i32
      %dma_wait3A_88 = tpu.memref_slice %arg5[%mul3A_2, %dma_wait3A_87] : memref<4096x128xf32, #tpu.memory_space<hbm>> -> memref<128x128xf32, #tpu.memory_space<hbm>>
      tpu.wait_dma2 semaphore(%run_scoped3A : memref<!tpu.dma_semaphore, #tpu.memory_space<semaphore_mem>>) src(%arg8 : memref<128x128xf32, #tpu.memory_space<vmem>>) dst(%dma_wait3A_88 : memref<128x128xf32, #tpu.memory_space<hbm>>)
      tpu.yield
    }) : () -> ()
    return
  }
}

module attributes {stable_mosaic.version = 14 : i64} {
  func.func @_mlp_body(%arg0: i32, %arg1: memref<512x128xf32, #tpu.memory_space<vmem>>, %arg2: memref<128x50xf32, #tpu.memory_space<vmem>>, %arg3: memref<50xf32, #tpu.memory_space<vmem>>, %arg4: memref<50x1xf32, #tpu.memory_space<vmem>>, %arg5: memref<1xf32, #tpu.memory_space<vmem>>, %arg6: memref<512x1xf32, #tpu.memory_space<vmem>>) attributes {dimension_semantics = [#tpu.dimension_semantics<arbitrary>], iteration_bounds = array<i64: 8>, scalar_prefetch = 0 : i64, scratch_operands = 0 : i64, tpu.core_type = #tpu.core_type<tc>, window_params = [{transform_indices = @transform_0, window_bounds = array<i64: 512, 128>}, {pipeline_mode = #tpu.pipeline_mode<synchronous>, transform_indices = @transform_1, window_bounds = array<i64: 128, 50>}, {pipeline_mode = #tpu.pipeline_mode<synchronous>, transform_indices = @transform_2, window_bounds = array<i64: 50>}, {pipeline_mode = #tpu.pipeline_mode<synchronous>, transform_indices = @transform_3, window_bounds = array<i64: 50, 1>}, {pipeline_mode = #tpu.pipeline_mode<synchronous>, transform_indices = @transform_4, window_bounds = array<i64: 1>}, {transform_indices = @transform_5, window_bounds = array<i64: 512, 1>}]} {
    %get3A = arith.constant 0 : index
    %get3A_0 = arith.constant 0 : index
    %get3A_1 = vector.load %arg1[%get3A, %get3A_0] : memref<512x128xf32, #tpu.memory_space<vmem>>, vector<512x128xf32>
    %get3A_2 = arith.constant 0 : index
    %get3A_3 = arith.constant 0 : index
    %get3A_4 = vector.load %arg2[%get3A_2, %get3A_3] : memref<128x50xf32, #tpu.memory_space<vmem>>, vector<128x50xf32>
    %dot_general3A = arith.constant dense<0.000000e+00> : vector<512x50xf32>
    %dot_general3A_5 = tpu.matmul %get3A_1, %get3A_4, %dot_general3A {dimension_numbers = #tpu.dot_dimension_numbers<[1], [0], [0], [1], [0, 0, 1, 1], [], []>, transpose_lhs_hint = false} : vector<512x128xf32>, vector<128x50xf32>, vector<512x50xf32> -> vector<512x50xf32>
    %get3A_6 = arith.constant 0 : index
    %get3A_7 = vector.load %arg3[%get3A_6] : memref<50xf32, #tpu.memory_space<vmem>>, vector<50xf32>
    %broadcast_in_dim3A = vector.shape_cast %get3A_7 : vector<50xf32> to vector<1x50xf32>
    %add3A = vector.broadcast %broadcast_in_dim3A : vector<1x50xf32> to vector<512x50xf32>
    %add3A_8 = arith.addf %dot_general3A_5, %add3A : vector<512x50xf32>
    %max3A = arith.constant 0.000000e+00 : f32
    %max3A_9 = vector.broadcast %max3A : f32 to vector<512x50xf32>
    %max3A_10 = arith.maximumf %add3A_8, %max3A_9 : vector<512x50xf32>
    %get3A_11 = arith.constant 0 : index
    %get3A_12 = arith.constant 0 : index
    %get3A_13 = vector.load %arg4[%get3A_11, %get3A_12] : memref<50x1xf32, #tpu.memory_space<vmem>>, vector<50x1xf32>
    %dot_general3A_14 = arith.constant dense<0.000000e+00> : vector<512x1xf32>
    %dot_general3A_15 = tpu.matmul %max3A_10, %get3A_13, %dot_general3A_14 {dimension_numbers = #tpu.dot_dimension_numbers<[1], [0], [0], [1], [0, 0, 1, 1], [], []>, transpose_lhs_hint = false} : vector<512x50xf32>, vector<50x1xf32>, vector<512x1xf32> -> vector<512x1xf32>
    %get3A_16 = arith.constant 0 : index
    %get3A_17 = vector.load %arg5[%get3A_16] : memref<1xf32, #tpu.memory_space<vmem>>, vector<1xf32>
    %broadcast_in_dim3A_18 = vector.shape_cast %get3A_17 : vector<1xf32> to vector<1x1xf32>
    %add3A_19 = vector.broadcast %broadcast_in_dim3A_18 : vector<1x1xf32> to vector<512x1xf32>
    %add3A_20 = arith.addf %dot_general3A_15, %add3A_19 : vector<512x1xf32>
    %logistic3A = arith.negf %add3A_20 : vector<512x1xf32>
    %logistic3A_21 = math.exp %logistic3A : vector<512x1xf32>
    %logistic3A_22 = arith.constant 1.000000e+00 : f32
    %logistic3A_23 = vector.broadcast %logistic3A_22 : f32 to vector<512x1xf32>
    %logistic3A_24 = arith.addf %logistic3A_23, %logistic3A_21 : vector<512x1xf32>
    %logistic3A_25 = arith.divf %logistic3A_23, %logistic3A_24 : vector<512x1xf32>
    %swap3A = arith.constant 0 : index
    %swap3A_26 = arith.constant 0 : index
    %swap3A_27 = vector.load %arg6[%swap3A, %swap3A_26] : memref<512x1xf32, #tpu.memory_space<vmem>>, vector<512x1xf32>
    tpu.vector_store %arg6[%swap3A, %swap3A_26], %logistic3A_25 {strides = array<i32>} : memref<512x1xf32, #tpu.memory_space<vmem>>, vector<512x1xf32>,
    return
  }
  func.func @transform_0(%arg0: i32) -> (i32, i32) {
    %c0_i32 = arith.constant 0 : i32
    %c0_i32_0 = arith.constant 0 : i32
    return %arg0, %c0_i32 : i32, i32
  }
  func.func @transform_1(%arg0: i32) -> (i32, i32) {
    %c0_i32 = arith.constant 0 : i32
    %c0_i32_0 = arith.constant 0 : i32
    %c0_i32_1 = arith.constant 0 : i32
    return %c0_i32, %c0_i32_0 : i32, i32
  }
  func.func @transform_2(%arg0: i32) -> i32 {
    %c0_i32 = arith.constant 0 : i32
    %c0_i32_0 = arith.constant 0 : i32
    return %c0_i32 : i32
  }
  func.func @transform_3(%arg0: i32) -> (i32, i32) {
    %c0_i32 = arith.constant 0 : i32
    %c0_i32_0 = arith.constant 0 : i32
    %c0_i32_1 = arith.constant 0 : i32
    return %c0_i32, %c0_i32_0 : i32, i32
  }
  func.func @transform_4(%arg0: i32) -> i32 {
    %c0_i32 = arith.constant 0 : i32
    %c0_i32_0 = arith.constant 0 : i32
    return %c0_i32 : i32
  }
  func.func @transform_5(%arg0: i32) -> (i32, i32) {
    %c0_i32 = arith.constant 0 : i32
    %c0_i32_0 = arith.constant 0 : i32
    return %arg0, %c0_i32 : i32, i32
  }
}

</mosaic_0001>

<sc_bundles>
// kernel: kernel.4.cloned.1.call-start
scs
__scs_entry_jumppad:
0x0: {  	(pc) =	sbr.rel $0x88, $3  }
0x1: {  	(tag) =	ssettag $0x0;
	lr =	simm.s32 $0x1  }
0x2: {  	[smem:$0x3F9A] =	sst lr;
	_ =	strace $0xD0000000  }
0x3: {  	_ = 	snop  }
0x4: {  	_ = 	snop  }
0x5: {  	_ = 	snop  }
0x6: {  	_ = 	snop  }
0x7: {  	_ = 	snop  }
__scs_overlays_trampoline_lowered:
0x8: {  	[smem:$0x3FA9] =	sst s0  }
0x9: {  	[smem:$0x3FAA] =	sst s1  }
0xa: {  	[smem:$0x3FAB] =	sst s2  }
0xb: {  	[smem:$0x3FAC] =	sst s3  }
0xc: {  	[smem:$0x3FAD] =	sst s4  }
0xd: {  	[smem:$0x3FAE] =	sst s5  }
0xe: {  	[smem:$0x3FAF] =	sst s6  }
0xf: {  	[smem:$0x3FB0] =	sst s7  }
0x10: {  	[smem:$0x3FB1] =	sst s8  }
0x11: {  	[smem:$0x3FB2] =	sst s9;
	s0 =	simm.s32 @!p0 $0x0  }
0x12: {  	s1 =	sld [smem:$0x3F98];
	s0 =	simm.s32 @p0 $0x1  }
0x13: {  	[smem:$0x3FB3] =	sst s0;
	s0 =	simm.s32 @!p1 $0x0  }
0x14: {  	s2 =	sld [smem:$0x3F97];
	s0 =	simm.s32 @p1 $0x1  }
0x15: {  	[smem:$0x3FB4] =	sst s0;
	s0 =	simm.s32 @!p2 $0x0  }
0x16: {  	s3 =	sld [smem:$0x3FDB];
	s0 =	simm.s32 @p2 $0x1  }
0x17: {  	s4 =	simm.s32 $0x1BF5;
	[smem:$0x3FB6] =	sst s0  }
0x18: {  	s0 =	sld [smem:$0x3F99];
	_ =	swait.ge [sflag:s4], $0x0  }
0x19: {  	s7 =	sld [smem:$0x3F9A]  }
0x1a: {  	s8 =	sadd.s32 $0xFFFFE003, lr  }
0x1b: {  	s9 =	sadd.s32 $0xFFFFFEF7, lr;
	s5 =	simm.s32 $0xFFFFFFFF;
	p2 =	slt.u32 s8, $0xFFFFF086  }
0x1c: {  	p1 =	slt.u32 s9, $0xF7A;
	s5 =	simm.s32 @!p2 $0x0  }
0x1d: {  	s5 =	simm.s32 @p1 $0x1;
	p0 =	seq.s32 s7, s2  }
0x1e: {  	s7 =	smul.u32 @!p0 $0xF7A, s2;
	p2 =	seq.s32 @!p0 s5, $0x0  }
0x1f: {  	s9 =	smul.u32 $0xF7A, s1;
	s8 =	simm.s32 @!p0 $0x1BF5;
	p2 =	por !p2, p0  }
0x20: {  	[sflag:s8] =	ssyncset.s32 @!p0 $0xFFFFF086;
	s6 =	sadd.s32 @!p0 s3, s7;
	s7 =	simm.s32 @!p0 $0x108  }
0x21: {  	s3 =	sadd.s32 s3, s9;
	s6 =	sadd.s32 @!p0 $0x88, s6;
	s7 =	simm.s32 @p2 $0x1082  }
0x22: {  	[simem:s7], [sflag:s8] =	dma.local @!p0 [hbm:s6], $0xF7A  }
0x23: {  	s9 =	sor.u32 $0xD0000000, s2;
	s6 =	simm.s32 $0x108;
	_ =	swait.ge @!p0 [sflag:s8], $0x0  }
0x24: {  	s3 =	sadd.s32 $0x88, s3;
	s6 =	simm.s32 @!p1 $0x1082;
	[sflag:s4] =	ssyncset.s32 $0xFFFFF086  }
0x25: {  	[simem:s6], [sflag:s4] =	dma.local [hbm:s3], $0xF7A  }
0x26: {  	[smem:$0x3F9A] =	sst s1;
	(tag) =	ssettag s2;
	_ =	strace s9  }
0x27: {  	s1 =	sld [smem:$0x3FAA]  }
0x28: {  	s2 =	sld [smem:$0x3FAB]  }
0x29: {  	s4 =	sld [smem:$0x3FAD]  }
0x2a: {  	p0 =	seq.s32 s5, $0x0;
	s5 =	sld [smem:$0x3FAE]  }
0x2b: {  	s6 =	sld [smem:$0x3FAF]  }
0x2c: {  	s7 =	sld [smem:$0x3FB0]  }
0x2d: {  	s3 =	simm.s32 $0x108;
	s8 =	sld [smem:$0x3FB1]  }
0x2e: {  	s3 =	simm.s32 @!p0 $0x1082;
	s9 =	sld [smem:$0x3FB2]  }
0x2f: {  	lr =	sadd.s32 s0, s3;
	s0 =	sld [smem:$0x3FA9]  }
0x30: {  	s3 =	sld [smem:$0x3FAC]  }
0x31: {  	[smem:$0x3FB5] =	sst s10  }
0x32: {  	s10 =	sld [smem:$0x3FB3];
	_ =	sdelay $0x3  }
0x33: {  	p0 =	seq.s32 s10, $0x1;
	s10 =	sld [smem:$0x3FB5];
	_ =	sdelay $0x3  }
0x34: {  	[smem:$0x3FB5] =	sst s10  }
0x35: {  	s10 =	sld [smem:$0x3FB4];
	_ =	sdelay $0x3  }
0x36: {  	p1 =	seq.s32 s10, $0x1;
	s10 =	sld [smem:$0x3FB5];
	_ =	sdelay $0x3  }
0x37: {  	[smem:$0x3FB5] =	sst s10  }
0x38: {  	s10 =	sld [smem:$0x3FB6]  }
0x39: {  	_ = 	snop;
	(pc) =	sbr.ind lr, $3  }
0x3a: {  	_ = 	snop  }
0x3b: {  	_ = 	snop  }
0x3c: {  	p2 =	seq.s32 s10, $0x1;
	s10 =	sld [smem:$0x3FB5]  }
0x3d: {  	_ =	shalt  }
0x3e: {  	_ =	shalt  }
0x3f: {  	_ =	shalt  }
0x40: {  	_ =	shalt  }
0x41: {  	_ =	shalt  }
0x42: {  	_ =	shalt  }
0x43: {  	_ =	shalt  }
0x44: {  	_ =	shalt  }
0x45: {  	_ =	shalt  }
0x46: {  	_ =	shalt  }
0x47: {  	_ =	shalt  }
0x48: {  	_ =	shalt  }
0x49: {  	_ =	shalt  }
0x4a: {  	_ =	shalt  }
0x4b: {  	_ =	shalt  }
0x4c: {  	_ =	shalt  }
0x4d: {  	_ =	shalt  }
0x4e: {  	_ =	shalt  }
0x4f: {  	_ =	shalt  }
0x50: {  	_ =	shalt  }
0x51: {  	_ =	shalt  }
0x52: {  	_ =	shalt  }
0x53: {  	_ =	shalt  }
0x54: {  	_ =	shalt  }
0x55: {  	_ =	shalt  }
0x56: {  	_ =	shalt  }
0x57: {  	_ =	shalt  }
0x58: {  	_ =	shalt  }
0x59: {  	_ =	shalt  }
0x5a: {  	_ =	shalt  }
0x5b: {  	_ =	shalt  }
0x5c: {  	_ =	shalt  }
0x5d: {  	_ =	shalt  }
0x5e: {  	_ =	shalt  }
0x5f: {  	_ =	shalt  }
0x60: {  	_ =	shalt  }
0x61: {  	_ =	shalt  }
0x62: {  	_ =	shalt  }
0x63: {  	_ =	shalt  }
0x64: {  	_ =	shalt  }
0x65: {  	_ =	shalt  }
0x66: {  	_ =	shalt  }
0x67: {  	_ =	shalt  }
0x68: {  	_ =	shalt  }
0x69: {  	_ =	shalt  }
0x6a: {  	_ =	shalt  }
0x6b: {  	_ =	shalt  }
0x6c: {  	_ =	shalt  }
0x6d: {  	_ =	shalt  }
0x6e: {  	_ =	shalt  }
0x6f: {  	_ =	shalt  }
0x70: {  	_ =	shalt  }
0x71: {  	_ =	shalt  }
0x72: {  	_ =	shalt  }
0x73: {  	_ =	shalt  }
0x74: {  	_ =	shalt  }
0x75: {  	_ =	shalt  }
0x76: {  	_ =	shalt  }
0x77: {  	_ =	shalt  }
0x78: {  	_ =	shalt  }
0x79: {  	_ =	shalt  }
0x7a: {  	_ =	shalt  }
0x7b: {  	_ =	shalt  }
0x7c: {  	_ =	shalt  }
0x7d: {  	_ =	shalt  }
0x7e: {  	_ =	shalt  }
0x7f: {  	_ =	shalt  }
0x80: {  	_ =	shalt  }
0x81: {  	_ =	shalt  }
0x82: {  	_ =	shalt  }
0x83: {  	_ =	shalt  }
0x84: {  	_ =	shalt  }
0x85: {  	_ =	shalt  }
0x86: {  	_ =	shalt  }
0x87: {  	_ =	shalt  }
.Lfunc_end0:
.L_simem_size_0:
called_computation_lowered:
.L_overlay_start_0:
0x88: {  	s2 =	sld [smem:$0x3FD9]  }
0x89: {  	s3 =	sld [smem:$0x3FFE];
	_ =	sdelay $0x1  }
0x8a: {  	s1 =	srdreg.scid  }
0x8b: {  	s0 =	sand.u32 $0x1, s1  }
0x8c: {  	s16 =	sshll.u32 s0, $0xA;
	s2 =	sadd.s32 s3, s2  }
0x8d: {  	s2 =	sadd.s32 s2, s16  }
0x8e: {  	[smem:$0x3FC1] =	sst s2  }
0x8f: {  	_ = 	snop  }
0x90: {  	(tm) =	ssettm $0x1  }
0x91: {  	s17 =	sld [smem:$0x3FFB];
	_ =	sdelay $0x3  }
0x92: {  	_ =	strace s17  }
0x93: {  	s2 =	sld [smem:$0x3FFC];
	_ =	sdelay $0x3  }
0x94: {  	_ =	strace s2  }
0x95: {  	s2 =	sld [smem:$0x3FFD];
	_ =	sdelay $0x3  }
0x96: {  	_ =	strace s2  }
0x97: {  	_ =	strace $0x8FFFFFFF  }
0x98: {  	s18 =	sld [smem:$0x3FDB];
	_ =	sdelay $0x1  }
0x99: {  	s19 =	simm.s32 $_scs_section_size  }
0x9a: {  	s4 =	simm.s32 $_size__tile_overlayer_lowered;
	s5 =	simm.s32 $_tile_overlayer_lowered  }
0x9b: {  	s22 =	simm.s32 $0x1BFF;
	s21 =	sshll.u32 s5, $0x1;
	s2 =	sadd.s32 s19, s18  }
0x9c: {  	s6 =	simm.s32 $0x0;
	s20 =	sshll.u32 s4, $0x1;
	s4 =	sadd.s32 s21, s2  }
0x9d: {  	[timem:s6], [sflag:s22] =	dma.local [hbm:s4], s20  }
0x9e: {  	_ =	swait.ge [sflag:s22], s20  }
0x9f: {  	s3 =	ssub.s32 $0x0, s20;
	[sflag:s22] =	ssyncset.done $0x0  }
0xa0: {  	[sflag:s22] =	ssyncadd.s32 s3;
	_ =	sdelay $0x1  }
0xa1: {  	s23 =	simm.s32 $0x1B8B  }
0xa2: {  	_ =	swait.ge [sflag:s23], $0x1  }
0xa3: {  	[sflag:s23] =	ssyncset.done $0x0  }
0xa4: {  	s25 =	simm.s32 $0x1B8E;
	s24 =	sld [smem:$0x3FFE];
	[sflag:s23] =	ssyncadd.s32 $0xFFFFFFFF  }
0xa5: {  	s26 =	simm.s32 $execute0_lowered;
	[smem:$0x3FD2] =	sst s25  }
0xa6: {  	s4 =	sshll.u32 s26, $0x1;
	_ =	strace $0x80000046;
	[dreg:$0x1] =	wrdreg $0xFFFFFFFF  }
0xa7: {  	s28 =	simm.s32 $_size_execute0_lowered;
	s2 =	sadd.s32 s2, s4;
	[dreg:$0x0] =	wrdreg $0x0  }
0xa8: {  	s4 =	sshll.u32 s28, $0x1;
	[dreg:$0x2] =	wrdreg s2  }
0xa9: {  	[dreg:$0x3] =	wrdreg s4  }
0xaa: {  	[dreg:$0x4] =	wrdreg $0xC0  }
0xab: {  	_ =	task [dreg:s6], $0x5FFFF  }
0xac: {  	[dreg:$0x1] =	wrdreg $0xFFFFFFFF  }
0xad: {  	[dreg:$0x0] =	wrdreg $0x60  }
0xae: {  	[dreg:$0x2] =	wrdreg s24  }
0xaf: {  	[dreg:$0x3] =	wrdreg $0x9  }
0xb0: {  	_ =	task.clear_ibuf [dreg:s6], $0x4FFFF;
	_ =	strace $0x90000046  }
0xb1: {  	s29 =	simm.s32 $0x9;
	_ =	strace $0x80000048  }
0xb2: {  	_ =	swait.ge [sflag:s29], $0x1  }
0xb3: {  	[sflag:s29] =	ssyncadd.s32 $0xFFFFFFFF  }
0xb4: {  	_ =	strace $0x90000048  }
0xb5: {  	_ =	sfence  }
0xb6: {  	s30 =	sld [smem:$0x0];
	_ =	sdelay $0x2  }
0xb7: {  	s31 =	sshll.u32 s1, $0xD;
	s1 =	sshrl.u32 s1, $0x2  }
0xb8: {  	s3 =	sand.u32 $0x4000, s31;
	s1 =	sadd.s32 s1, s30  }
0xb9: {  	s0 =	sor.u32 s3, s0;
	s1 =	sshll.u32 s1, $0x11  }
0xba: {  	s0 =	sor.u32 s1, s0  }
0xbb: {  	s0 =	sadd.s32 $0x8F2B, s0  }
0xbc: {  	[sflag:s0] =	ssyncadd.remote.s32 $0x1  }
0xbd: {  	_ =	sfence.sel $0xFFFF  }
0xbe: {  	[dreg:$0x0] =	wrdreg $0xFFFFFFFF;
	(pc) =	sbr.abs _section_cstart, $3  }
0xbf: {  	[dreg:$0x1] =	wrdreg $0xFFFFFFFF  }
0xc0: {  	_ =	task.clear_ibuf [dreg:s6], $0x2FFFF;
	_ =	strace $0x9FFFFFFF  }
0xc1: {  	(tm) =	ssettm $0x7FFFFFFF  }
tec
execute0_lowered:
.L_overlay_start_1:
0x0: {  	(tag) =	ssettag $0x1  }
0x1: {  	s0 =	srdreg.scid;
	s2 =	stileid.u32  }
0x2: {  	s1 =	rddreg [dreg:$0x0];
	s8 =	simm.s32 $0x5;
	s10 =	simm.s32 $0x60  }
0x3: {  	s12 =	simm.s32 $0x68;
	s17 =	simm.s32 $0xED00;
	s18 =	simm.s32 $0x190  }
0x4: {  	s19 =	simm.s32 $0xFA00;
	s20 =	simm.s32 $0x1F0;
	s21 =	simm.s32 $0x10600  }
0x5: {  	s22 =	simm.s32 $0x1;
	s23 =	simm.s32 $0x11300;
	s24 =	simm.s32 $0x11F00  }
0x6: {  	s25 =	simm.s32 $0x12C00;
	s28 =	simm.s32 $0x3;
	s29 =	simm.s32 $0x4  }
0x7: {  	s30 =	simm.s32 $0x0;
	s0 =	sand.u32 $0x1, s0;
	s3 =	sshll.u32 s2, $0x8  }
0x8: {  	s2 =	simm.s32 $0x0;
	s4 =	sshll.u32 s0, $0x7;
	s0 =	ssub.s32 $0x2, s0  }
0x9: {  	[smem:$0x7FF] =	sst s2;
	s3 =	sor.u32 s4, s3;
	s31 =	sshrl.u32 s0, $0x1  }
0xa: {  	_ =	strace $0x80000047;
	s4 =	smul.u32 $0x19, s3;
	s0 =	ssub.s32 s0, s31  }
0xb: {  	s26 =	sshll.u32 s3, $0x4;
	s3 =	sadd.s32 $0x1000, s1;
	s7 =	smax.u32 s0, $0x1  }
0xc: {  	v0 =	vlaneseq.u32;
	s5 =	sadd.s32 s4, s1;
	s1 =	sadd.s32 s26, s1;
	s26 =	simm.s32 $0x2  }
0xd: {  	v0 =	vmul.u32 $0x2, v0;
	s4 =	sadd.s32 $0x7BC00, s5;
	s5 =	sadd.s32 $0x62C00, s5;
	s6 =	sadd.s32 $0x94C00, s1  }
.LBB2_1:
0xe: {  	[tilespmem:s2], [sflag:$0x5] =	stream.linear.gather [hbm4b:s4+s2], $0x6400, $0x38;
	[tilespmem:$0x16C00] =	vst v63  }
0xf: {  	_ =	swait.ge [sflag:s8], $0x6400  }
0x10: {  	[sflag:s8] =	ssyncset.done $0x0  }
0x11: {  	s0 =	simm.s32 $0x6400;
	[sflag:s8] =	ssyncadd.s32 $0xFFFF9C00  }
0x12: {  	[tilespmem:s0], [sflag:$0x5] =	stream.linear.gather [hbm4b:s5+s2], $0x6400, $0x38;
	[tilespmem:$0x16C00] =	vst v63  }
0x13: {  	_ =	swait.ge [sflag:s8], $0x6400  }
0x14: {  	[sflag:s8] =	ssyncset.done $0x0  }
0x15: {  	s13 =	simm.s32 $0xC800;
	[sflag:s8] =	ssyncadd.s32 $0xFFFF9C00  }
0x16: {  	[tilespmem:s13], [sflag:$0x1] =	stream.indirect.gather [hbm4b:s3+s10], $0x20, s2, s10, $0xb8;
	[tilespmem:$0x16C00] =	vst v63  }
0x17: {  	s14 =	simm.s32 $0xD400  }
0x18: {  	[tilespmem:s14], [sflag:$0x1] =	stream.indirect.gather [hbm4b:s3+s12], $0x20, s10, s12, $0xb8;
	[tilespmem:$0x16C00] =	vst v63  }
0x19: {  	s15 =	simm.s32 $0xC8;
	s1 =	simm.s32 $0xE100  }
0x1a: {  	[tilespmem:s1], [sflag:$0x2] =	stream.indirect.gather [hbm4b:s3+s10], $0x20, s15, s10, $0xb8;
	[tilespmem:$0x16C00] =	vst v63  }
0x1b: {  	s16 =	simm.s32 $0x128  }
0x1c: {  	[tilespmem:s17], [sflag:$0x2] =	stream.indirect.gather [hbm4b:s3+s12], $0x20, s16, s12, $0xb8;
	[tilespmem:$0x16C00] =	vst v63  }
0x1d: {  	_ = 	snop  }
0x1e: {  	[tilespmem:s19], [sflag:$0x3] =	stream.indirect.gather [hbm4b:s3+s10], $0x20, s18, s10, $0xb8;
	[tilespmem:$0x16C00] =	vst v63  }
0x1f: {  	s31 =	simm.s32 $0x0  }
0x20: {  	[tilespmem:s21], [sflag:$0x3] =	stream.indirect.gather [hbm4b:s3+s12], $0x20, s20, s12, $0xb8;
	[tilespmem:$0x16C00] =	vst v63  }
.LBB2_2:
0x21: {  	s1 =	sshllo.u32 s31, $0x2  }
0x22: {  	_ =	swait.ge [sflag:s22], $0x1900;
	s0 =	smul.u32 $0x320, s1  }
0x23: {  	[sflag:s22] =	ssyncset.done $0x0  }
0x24: {  	[sflag:s22] =	ssyncadd.s32 $0xFFFFE700;
	s0 =	sshra.s32 s0, $0x2  }
0x25: {  	[tilespmem:s23], [sflag:$0x4] =	stream.indirect.gather [hbm4b:s3+s10], $0x20, s0, s10, $0xb8;
	[tilespmem:$0x16C00] =	vst v63  }
0x26: {  	s11 =	simm.s32 $0xC880;
	s0 =	sadd.s32 $0x60, s0  }
0x27: {  	[tilespmem:s24], [sflag:$0x4] =	stream.indirect.gather [hbm4b:s3+s12], $0x20, s0, s12, $0xb8;
	[tilespmem:$0x16C00] =	vst v63  }
0x28: {  	v1 =	vld [tilespmem:s11+$0x60]  }
0x29: {  	v4 =	vld [tilespmem:s11+$0x40]  }
0x2a: {  	v9 =	vld [tilespmem:s11+$0x20]  }
0x2b: {  	v6 =	vld [tilespmem:s11+$0x0]  }
0x2c: {  	v10 =	vld [tilespmem:s11+$0xFFFFFFE0]  }
0x2d: {  	v11 =	vld [tilespmem:s11+$0xFFFFFFC0]  }
0x2e: {  	v13 =	vld [tilespmem:s11+$0xFFFFFF80]  }
0x2f: {  	v15 =	vld [tilespmem:s11+$0xFFFFFF90]  }
0x30: {  	v14 =	vimm.f32 $0.0e+00;
	v8 =	vshll.u32 v1, $0x10;
	v7 =	vand.u32 $0xFFFF0000, v1  }
0x31: {  	v12 =	vld [tilespmem:s11+$0xFFFFFFA0];
	v3 =	vshll.u32 v9, $0x10;
	v2 =	vshll.u32 v4, $0x10;
	v1 =	vand.u32 $0xFFFF0000, v4  }
0x32: {  	v16 =	vld [tilespmem:s11+$0xFFFFFFB0];
	v5 =	vshll.u32 v6, $0x10;
	v4 =	vand.u32 $0xFFFF0000, v9;
	v9 =	vshll.u32 v11, $0x10  }
0x33: {  	v17 =	vshll.u32 v10, $0x10;
	v18 =	vand.u32 $0xFFFF0000, v10;
	v19 =	vand.u32 $0xFFFF0000, v11  }
0x34: {  	v20 =	vld [tilespmem:s11+$0xFFFFFFD0];
	v11 =	vshll.u32 v13, $0x10;
	v13 =	vand.u32 $0xFFFF0000, v13;
	v21 =	vshll.u32 v15, $0x10  }
0x35: {  	v15 =	vand.u32 $0xFFFF0000, v15;
	v11 =	vadd.f32 v11, v14;
	v13 =	vadd.f32 v13, v14  }
0x36: {  	v22 =	vld [tilespmem:s11+$0xFFFFFFF0];
	v10 =	vshll.u32 v12, $0x10;
	v21 =	vadd.f32 v21, v14;
	v14 =	vadd.f32 v15, v14  }
0x37: {  	v12 =	vand.u32 $0xFFFF0000, v12;
	v10 =	vadd.f32 v10, v11;
	v11 =	vand.u32 $0xFFFF0000, v16  }
0x38: {  	v15 =	vshll.u32 v16, $0x10;
	v12 =	vadd.f32 v12, v13;
	v14 =	vadd.f32 v11, v14;
	v11 =	vld [tilespmem:s11+$0x10]  }
0x39: {  	v6 =	vand.u32 $0xFFFF0000, v6;
	v13 =	vadd.f32 v15, v21;
	v15 =	vshll.u32 v20, $0x10  }
0x3a: {  	v16 =	vand.u32 $0xFFFF0000, v20;
	v9 =	vadd.f32 v9, v10;
	v19 =	vadd.f32 v19, v12;
	v10 =	vld [tilespmem:s11+$0x30]  }
0x3b: {  	v12 =	vadd.f32 v15, v13;
	v13 =	vadd.f32 v16, v14;
	v16 =	vshll.u32 v22, $0x10  }
0x3c: {  	s9 =	sshll.u32 s31, $0x2;
	s13 =	simm.s32 $0xC980;
	s0 =	simm.s32 $0x0;
	v14 =	vadd.f32 v17, v9;
	v15 =	vadd.f32 v18, v19;
	v17 =	vand.u32 $0xFFFF0000, v22;
	v9 =	vld [tilespmem:s11+$0x50]  }
.LBB2_3:
0x3d: {  	v18 =	vld [tilespmem:s13+$0x60];
	v12 =	vadd.f32 v16, v12;
	v13 =	vadd.f32 v17, v13;
	v16 =	vshll.u32 v11, $0x10  }
0x3e: {  	v11 =	vand.u32 $0xFFFF0000, v11;
	v5 =	vadd.f32 v5, v14;
	v6 =	vadd.f32 v6, v15;
	v14 =	vld [tilespmem:s11+$0x70];
	s11 =	smov.u32 s13  }
0x3f: {  	v15 =	vld [tilespmem:s13+$0x40];
	v12 =	vadd.f32 v16, v12;
	v11 =	vadd.f32 v11, v13;
	v13 =	vshll.u32 v10, $0x10  }
0x40: {  	v16 =	vld [tilespmem:s13+$0x20];
	v3 =	vadd.f32 v3, v5;
	v4 =	vadd.f32 v4, v6;
	v5 =	vand.u32 $0xFFFF0000, v10  }
0x41: {  	v6 =	vld [tilespmem:s13+$0x0];
	v10 =	vadd.f32 v13, v12;
	v5 =	vadd.f32 v5, v11;
	v11 =	vshll.u32 v9, $0x10  }
0x42: {  	v12 =	vld [tilespmem:s13+$0xFFFFFFE0];
	v2 =	vadd.f32 v2, v3;
	v1 =	vadd.f32 v1, v4;
	v3 =	vand.u32 $0xFFFF0000, v9  }
0x43: {  	v9 =	vld [tilespmem:s13+$0xFFFFFFC0];
	v4 =	vadd.f32 v11, v10;
	v3 =	vadd.f32 v3, v5;
	v5 =	vshll.u32 v14, $0x10  }
0x44: {  	v10 =	vld [tilespmem:s13+$0xFFFFFFA0];
	v11 =	vadd.f32 v8, v2;
	v13 =	vadd.f32 v7, v1;
	v1 =	vand.u32 $0xFFFF0000, v14  }
0x45: {  	v14 =	vld [tilespmem:s13+$0xFFFFFF80];
	v17 =	vadd.f32 v5, v4;
	v19 =	vadd.f32 v1, v3  }
0x46: {  	v8 =	vshll.u32 v18, $0x10;
	v7 =	vand.u32 $0xFFFF0000, v18;
	v20 =	vld [tilespmem:s13+$0xFFFFFF90]  }
0x47: {  	s0 =	sadd.s32 $0x8, s0;
	v2 =	vshll.u32 v15, $0x10;
	v3 =	vshll.u32 v16, $0x10;
	v1 =	vand.u32 $0xFFFF0000, v15  }
0x48: {  	p0 =	slt.u32 s0, $0xC0;
	v4 =	vand.u32 $0xFFFF0000, v16;
	v5 =	vshll.u32 v6, $0x10;
	v6 =	vand.u32 $0xFFFF0000, v6;
	v15 =	vld [tilespmem:s13+$0xFFFFFFB0]  }
0x49: {  	v18 =	vshll.u32 v12, $0x10;
	v21 =	vand.u32 $0xFFFF0000, v12;
	v16 =	vshll.u32 v9, $0x10  }
0x4a: {  	v9 =	vand.u32 $0xFFFF0000, v9;
	v12 =	vshll.u32 v10, $0x10;
	v10 =	vand.u32 $0xFFFF0000, v10;
	v22 =	vld [tilespmem:s13+$0xFFFFFFD0]  }
0x4b: {  	v23 =	vshll.u32 v14, $0x10;
	v14 =	vand.u32 $0xFFFF0000, v14;
	v24 =	vshll.u32 v20, $0x10  }
0x4c: {  	v11 =	vadd.f32 v23, v11;
	v13 =	vadd.f32 v14, v13;
	v14 =	vand.u32 $0xFFFF0000, v20;
	v20 =	vld [tilespmem:s13+$0xFFFFFFF0]  }
0x4d: {  	v17 =	vadd.f32 v24, v17;
	v14 =	vadd.f32 v14, v19;
	v19 =	vshll.u32 v15, $0x10  }
.Ltmp0:
0x4e: {  	v12 =	vadd.f32 v12, v11;
	v10 =	vadd.f32 v10, v13;
	v13 =	vand.u32 $0xFFFF0000, v15;
	v11 =	vld [tilespmem:s13+$0x10];
	(pc) =	sbr.rel @p0 .LBB2_3-.Ltmp0, $4  }
0x4f: {  	v15 =	vadd.f32 v19, v17;
	v13 =	vadd.f32 v13, v14;
	v14 =	vshll.u32 v22, $0x10  }
0x50: {  	v17 =	vadd.f32 v16, v12;
	v9 =	vadd.f32 v9, v10;
	v16 =	vand.u32 $0xFFFF0000, v22;
	v10 =	vld [tilespmem:s13+$0x30]  }
0x51: {  	v12 =	vadd.f32 v14, v15;
	v13 =	vadd.f32 v16, v13;
	v16 =	vshll.u32 v20, $0x10  }
0x52: {  	s13 =	sadd.s32 $0x100, s13;
	v14 =	vadd.f32 v18, v17;
	v15 =	vadd.f32 v21, v9;
	v17 =	vand.u32 $0xFFFF0000, v20;
	v9 =	vld [tilespmem:s11+$0x50]  }
0x53: {  	v12 =	vadd.f32 v16, v12  }
0x54: {  	v13 =	vadd.f32 v17, v13;
	v16 =	vshll.u32 v11, $0x10;
	s13 =	sshrl.u32 s31, $0x5;
	v5 =	vadd.f32 v5, v14  }
0x55: {  	v11 =	vand.u32 $0xFFFF0000, v11;
	v6 =	vadd.f32 v6, v15;
	s0 =	sshll.u32 s13, $0x7;
	s13 =	sshll.u32 s13, $0x6;
	v12 =	vadd.f32 v16, v12  }
0x56: {  	v11 =	vadd.f32 v11, v13;
	v13 =	vshll.u32 v10, $0x10;
	s16 =	sor.u32 $0x21, s13;
	v3 =	vadd.f32 v3, v5  }
0x57: {  	v4 =	vadd.f32 v4, v6;
	v5 =	vand.u32 $0xFFFF0000, v10;
	v17 =	vor.u32 s16, v0  }
0x58: {  	s15 =	sor.u32 $0x1, s13;
	v10 =	vadd.f32 v13, v12;
	v11 =	vadd.f32 v5, v11;
	v12 =	vshll.u32 v9, $0x10  }
0x59: {  	s14 =	ssub.s32 s9, s0;
	v9 =	vand.u32 $0xFFFF0000, v9;
	v13 =	vadd.f32 v2, v3;
	v2 =	vor.u32 s15, v0  }
0x5a: {  	v15 =	vld [tilespmem:s11+$0x70];
	s14 =	sshll.u32 s14, $0x7;
	v14 =	vadd.f32 v1, v4;
	v1 =	vor.u32 s13, v0;
	v3 =	vand.u32 $0x7FFFFFD8, v2  }
0x5b: {  	s13 =	sor.u32 $0x20, s13;
	v16 =	vor.u32 s14, v1;
	v2 =	vand.u32 $0x7, v2;
	v4 =	vadd.s32 s14, v3  }
0x5c: {  	v6 =	vand.u32 $0x7FFFFFF8, v17;
	v5 =	vor.u32 s13, v0;
	v18 =	vor.u32 v2, v4  }
0x5d: {  	v19 =	vor.u32 s14, v5;
	v4 =	vand.u32 $0x7, v17;
	v17 =	vadd.s32 s14, v6  }
0x5e: {  	v10 =	vadd.f32 v12, v10;
	v8 =	vadd.f32 v8, v13;
	v12 =	vor.u32 v4, v17  }
0x5f: {  	v9 =	vadd.f32 v9, v11;
	v11 =	vshll.u32 v15, $0x10;
	v7 =	vadd.f32 v7, v14  }
0x60: {  	v13 =	vand.u32 $0xFFFF0000, v15;
	v10 =	vadd.f32 v11, v10;
	[tilespmem:v16+s25+$0x0] =	vst.idx.msk $0xffff, v8  }
0x61: {  	v8 =	vadd.f32 v13, v9;
	[tilespmem:v18+s25+$0x0] =	vst.idx.msk $0xffff, v7  }
0x62: {  	p0 =	seq.s32 s31, $0x3F;
	[tilespmem:v19+s25+$0x0] =	vst.idx.msk $0xffff, v10  }
0x63: {  	s11 =	smul.u32 @!p0 $0xC80, s31;
	[tilespmem:v12+s25+$0x0] =	vst.idx.msk $0xffff, v8  }
0x64: {  	_ =	swait.ge [sflag:s26], $0x1900  }
0x65: {  	s11 =	sshra.s32 @!p0 s11, $0x2;
	s15 =	simm.s32 @!p0 $0xC800;
	[sflag:s26] =	ssyncset.done $0x0  }
0x66: {  	s13 =	sadd.s32 @!p0 $0x320, s11;
	s14 =	simm.s32 @!p0 $0x60;
	[sflag:s26] =	ssyncadd.s32 $0xFFFFE700  }
0x67: {  	[tilespmem:s15], [sflag:$0x1] =	stream.indirect.gather @!p0 [hbm4b:s3+s14], $0x20, s13, s14, $0xb8;
	[tilespmem:$0x16C00] =	vst v63  }
0x68: {  	s13 =	sadd.s32 @!p0 $0x380, s11;
	s14 =	simm.s32 @!p0 $0x68;
	s15 =	simm.s32 @!p0 $0xD400  }
0x69: {  	[tilespmem:s15], [sflag:$0x1] =	stream.indirect.gather @!p0 [hbm4b:s3+s14], $0x20, s13, s14, $0xb8;
	[tilespmem:$0x16C00] =	vst v63  }
0x6a: {  	s13 =	simm.s32 $0xE1F0  }
0x6b: {  	v7 =	vld [tilespmem:s13+$0xFFFFFFF0]  }
0x6c: {  	v10 =	vld [tilespmem:s13+$0xFFFFFFD0]  }
0x6d: {  	v12 =	vld [tilespmem:s13+$0xFFFFFFB0]  }
0x6e: {  	v14 =	vld [tilespmem:s13+$0xFFFFFF90]  }
0x6f: {  	v15 =	vld [tilespmem:s13+$0xFFFFFF70]  }
0x70: {  	v16 =	vld [tilespmem:s13+$0xFFFFFF50]  }
0x71: {  	v17 =	vld [tilespmem:s13+$0xFFFFFF30]  }
0x72: {  	v18 =	vld [tilespmem:s13+$0xFFFFFF10]  }
0x73: {  	v20 =	vld [tilespmem:s13+$0xFFFFFF20]  }
0x74: {  	v19 =	vimm.f32 $0.0e+00;
	v8 =	vshll.u32 v7, $0x10;
	v7 =	vand.u32 $0xFFFF0000, v7  }
0x75: {  	v11 =	vshll.u32 v12, $0x10;
	v9 =	vshll.u32 v10, $0x10;
	v10 =	vand.u32 $0xFFFF0000, v10  }
0x76: {  	v21 =	vld [tilespmem:s13+$0xFFFFFF40];
	v13 =	vshll.u32 v14, $0x10;
	v14 =	vand.u32 $0xFFFF0000, v14;
	v12 =	vand.u32 $0xFFFF0000, v12  }
0x77: {  	v22 =	vshll.u32 v16, $0x10;
	v23 =	vshll.u32 v15, $0x10;
	v24 =	vshll.u32 v17, $0x10  }
0x78: {  	v25 =	vld [tilespmem:s13+$0xFFFFFF60];
	v26 =	vshll.u32 v18, $0x10;
	v18 =	vand.u32 $0xFFFF0000, v18;
	v27 =	vshll.u32 v20, $0x10  }
0x79: {  	v20 =	vand.u32 $0xFFFF0000, v20;
	v26 =	vadd.f32 v26, v19;
	v18 =	vadd.f32 v18, v19  }
0x7a: {  	v28 =	vld [tilespmem:s13+$0xFFFFFF80];
	v17 =	vand.u32 $0xFFFF0000, v17;
	v27 =	vadd.f32 v27, v19;
	v19 =	vadd.f32 v20, v19  }
0x7b: {  	v15 =	vand.u32 $0xFFFF0000, v15;
	v18 =	vadd.f32 v17, v18;
	v17 =	vand.u32 $0xFFFF0000, v21  }
0x7c: {  	v20 =	vshll.u32 v21, $0x10;
	v24 =	vadd.f32 v24, v26;
	v19 =	vadd.f32 v17, v19;
	v17 =	vld [tilespmem:s13+$0xFFFFFFA0]  }
0x7d: {  	v16 =	vand.u32 $0xFFFF0000, v16;
	v20 =	vadd.f32 v20, v27;
	v21 =	vshll.u32 v25, $0x10  }
0x7e: {  	v24 =	vadd.f32 v22, v24;
	v63 =	vadd.f32 v16, v18;
	v22 =	vand.u32 $0xFFFF0000, v25;
	v16 =	vld [tilespmem:s13+$0xFFFFFFC0]  }
0x7f: {  	v18 =	vadd.f32 v21, v20;
	v19 =	vadd.f32 v22, v19;
	v22 =	vshll.u32 v28, $0x10  }
0x80: {  	s16 =	simm.s32 $0xE2F0;
	s14 =	sor.u32 $0x1, s9;
	s15 =	simm.s32 $0x0;
	v20 =	vadd.f32 v23, v24;
	v21 =	vadd.f32 v15, v63;
	v23 =	vand.u32 $0xFFFF0000, v28;
	v15 =	vld [tilespmem:s13+$0xFFFFFFE0]  }
.LBB2_5:
0x81: {  	v24 =	vld [tilespmem:s16+$0xFFFFFFF0];
	v18 =	vadd.f32 v22, v18;
	v19 =	vadd.f32 v23, v19;
	v22 =	vshll.u32 v17, $0x10  }
0x82: {  	v17 =	vand.u32 $0xFFFF0000, v17;
	v13 =	vadd.f32 v13, v20;
	v14 =	vadd.f32 v14, v21;
	v20 =	vld [tilespmem:s13+$0x0];
	s13 =	smov.u32 s16  }
0x83: {  	v21 =	vld [tilespmem:s16+$0xFFFFFFD0];
	v18 =	vadd.f32 v22, v18;
	v17 =	vadd.f32 v17, v19;
	v19 =	vshll.u32 v16, $0x10  }
0x84: {  	v22 =	vld [tilespmem:s16+$0xFFFFFFB0];
	v11 =	vadd.f32 v11, v13;
	v12 =	vadd.f32 v12, v14;
	v13 =	vand.u32 $0xFFFF0000, v16  }
0x85: {  	v14 =	vld [tilespmem:s16+$0xFFFFFF90];
	v16 =	vadd.f32 v19, v18;
	v13 =	vadd.f32 v13, v17;
	v17 =	vshll.u32 v15, $0x10  }
0x86: {  	v18 =	vld [tilespmem:s16+$0xFFFFFF70];
	v9 =	vadd.f32 v9, v11;
	v10 =	vadd.f32 v10, v12;
	v11 =	vand.u32 $0xFFFF0000, v15  }
0x87: {  	v15 =	vld [tilespmem:s16+$0xFFFFFF50];
	v12 =	vadd.f32 v17, v16;
	v11 =	vadd.f32 v11, v13;
	v13 =	vshll.u32 v20, $0x10  }
0x88: {  	v16 =	vld [tilespmem:s16+$0xFFFFFF30];
	v17 =	vadd.f32 v8, v9;
	v19 =	vadd.f32 v7, v10;
	v7 =	vand.u32 $0xFFFF0000, v20  }
0x89: {  	v20 =	vld [tilespmem:s16+$0xFFFFFF10];
	v23 =	vadd.f32 v13, v12;
	v25 =	vadd.f32 v7, v11  }
0x8a: {  	v8 =	vshll.u32 v24, $0x10;
	v7 =	vand.u32 $0xFFFF0000, v24;
	v26 =	vld [tilespmem:s16+$0xFFFFFF20]  }
0x8b: {  	s15 =	sadd.s32 $0x8, s15;
	v9 =	vshll.u32 v21, $0x10;
	v10 =	vand.u32 $0xFFFF0000, v21;
	v11 =	vshll.u32 v22, $0x10  }
0x8c: {  	p1 =	slt.u32 s15, $0xC0;
	v12 =	vand.u32 $0xFFFF0000, v22;
	v13 =	vshll.u32 v14, $0x10;
	v14 =	vand.u32 $0xFFFF0000, v14;
	v21 =	vld [tilespmem:s16+$0xFFFFFF40]  }
0x8d: {  	v24 =	vshll.u32 v18, $0x10;
	v27 =	vand.u32 $0xFFFF0000, v18;
	v22 =	vshll.u32 v15, $0x10  }
0x8e: {  	v15 =	vand.u32 $0xFFFF0000, v15;
	v18 =	vshll.u32 v16, $0x10;
	v16 =	vand.u32 $0xFFFF0000, v16;
	v28 =	vld [tilespmem:s16+$0xFFFFFF60]  }
0x8f: {  	v29 =	vshll.u32 v20, $0x10;
	v20 =	vand.u32 $0xFFFF0000, v20;
	v30 =	vshll.u32 v26, $0x10  }
0x90: {  	v17 =	vadd.f32 v29, v17;
	v19 =	vadd.f32 v20, v19;
	v20 =	vand.u32 $0xFFFF0000, v26;
	v26 =	vld [tilespmem:s16+$0xFFFFFF80]  }
0x91: {  	v23 =	vadd.f32 v30, v23;
	v20 =	vadd.f32 v20, v25;
	v25 =	vshll.u32 v21, $0x10  }
.Ltmp1:
0x92: {  	v18 =	vadd.f32 v18, v17;
	v16 =	vadd.f32 v16, v19;
	v19 =	vand.u32 $0xFFFF0000, v21;
	v17 =	vld [tilespmem:s16+$0xFFFFFFA0];
	(pc) =	sbr.rel @p1 .LBB2_5-.Ltmp1, $4  }
0x93: {  	v21 =	vadd.f32 v25, v23;
	v19 =	vadd.f32 v19, v20;
	v20 =	vshll.u32 v28, $0x10  }
0x94: {  	v23 =	vadd.f32 v22, v18;
	v15 =	vadd.f32 v15, v16;
	v22 =	vand.u32 $0xFFFF0000, v28;
	v16 =	vld [tilespmem:s16+$0xFFFFFFC0]  }
0x95: {  	v18 =	vadd.f32 v20, v21;
	v19 =	vadd.f32 v22, v19;
	v22 =	vshll.u32 v26, $0x10  }
0x96: {  	s16 =	sadd.s32 $0x100, s16;
	v20 =	vadd.f32 v24, v23;
	v21 =	vadd.f32 v27, v15;
	v23 =	vand.u32 $0xFFFF0000, v26;
	v15 =	vld [tilespmem:s13+$0xFFFFFFE0]  }
0x97: {  	v18 =	vadd.f32 v22, v18;
	v19 =	vadd.f32 v23, v19;
	v22 =	vshll.u32 v17, $0x10  }
0x98: {  	v17 =	vand.u32 $0xFFFF0000, v17;
	v13 =	vadd.f32 v13, v20;
	v14 =	vadd.f32 v14, v21  }
0x99: {  	v18 =	vadd.f32 v22, v18;
	v17 =	vadd.f32 v17, v19;
	v19 =	vshll.u32 v16, $0x10  }
0x9a: {  	s14 =	ssub.s32 s14, s0;
	v11 =	vadd.f32 v11, v13;
	v12 =	vadd.f32 v12, v14;
	v13 =	vand.u32 $0xFFFF0000, v16  }
0x9b: {  	s16 =	sshll.u32 s14, $0x7;
	v14 =	vld [tilespmem:s13+$0x0];
	v16 =	vadd.f32 v19, v18;
	v13 =	vadd.f32 v13, v17  }
0x9c: {  	v17 =	vshll.u32 v15, $0x10;
	v18 =	vor.u32 s16, v1;
	v19 =	vadd.s32 s16, v3  }
0x9d: {  	v9 =	vadd.f32 v9, v11;
	v10 =	vadd.f32 v10, v12;
	v11 =	vor.u32 v2, v19  }
0x9e: {  	v12 =	vand.u32 $0xFFFF0000, v15;
	v15 =	vor.u32 s16, v5;
	v19 =	vadd.s32 s16, v6  }
0x9f: {  	v16 =	vadd.f32 v17, v16;
	v8 =	vadd.f32 v8, v9;
	v9 =	vor.u32 v4, v19  }
0xa0: {  	v12 =	vadd.f32 v12, v13;
	v7 =	vadd.f32 v7, v10;
	v13 =	vshll.u32 v14, $0x10  }
0xa1: {  	v10 =	vand.u32 $0xFFFF0000, v14;
	v13 =	vadd.f32 v13, v16;
	[tilespmem:v18+s25+$0x0] =	vst.idx.msk $0xffff, v8  }
0xa2: {  	v8 =	vadd.f32 v10, v12;
	[tilespmem:v11+s25+$0x0] =	vst.idx.msk $0xffff, v7  }
0xa3: {  	[tilespmem:v15+s25+$0x0] =	vst.idx.msk $0xffff, v13  }
0xa4: {  	[tilespmem:v9+s25+$0x0] =	vst.idx.msk $0xffff, v8  }
0xa5: {  	_ =	swait.ge [sflag:s28], $0x1900  }
0xa6: {  	s15 =	simm.s32 @!p0 $0xE100;
	[sflag:s28] =	ssyncset.done $0x0  }
0xa7: {  	s14 =	simm.s32 @!p0 $0x60;
	s13 =	sadd.s32 @!p0 $0x3E8, s11;
	[sflag:s28] =	ssyncadd.s32 $0xFFFFE700  }
0xa8: {  	[tilespmem:s15], [sflag:$0x2] =	stream.indirect.gather @!p0 [hbm4b:s3+s14], $0x20, s13, s14, $0xb8;
	[tilespmem:$0x16C00] =	vst v63  }
0xa9: {  	s13 =	sadd.s32 @!p0 $0x448, s11;
	s14 =	simm.s32 @!p0 $0x68;
	s15 =	simm.s32 @!p0 $0xED00  }
0xaa: {  	[tilespmem:s15], [sflag:$0x2] =	stream.indirect.gather @!p0 [hbm4b:s3+s14], $0x20, s13, s14, $0xb8;
	[tilespmem:$0x16C00] =	vst v63  }
0xab: {  	s13 =	simm.s32 $0xFAF0  }
0xac: {  	v7 =	vld [tilespmem:s13+$0xFFFFFFF0]  }
0xad: {  	v10 =	vld [tilespmem:s13+$0xFFFFFFD0]  }
0xae: {  	v12 =	vld [tilespmem:s13+$0xFFFFFFB0]  }
0xaf: {  	v14 =	vld [tilespmem:s13+$0xFFFFFF90]  }
0xb0: {  	v15 =	vld [tilespmem:s13+$0xFFFFFF70]  }
0xb1: {  	v16 =	vld [tilespmem:s13+$0xFFFFFF50]  }
0xb2: {  	v17 =	vld [tilespmem:s13+$0xFFFFFF30]  }
0xb3: {  	v18 =	vld [tilespmem:s13+$0xFFFFFF10]  }
0xb4: {  	v20 =	vld [tilespmem:s13+$0xFFFFFF20]  }
0xb5: {  	v19 =	vimm.f32 $0.0e+00;
	v8 =	vshll.u32 v7, $0x10;
	v7 =	vand.u32 $0xFFFF0000, v7  }
0xb6: {  	v11 =	vshll.u32 v12, $0x10;
	v9 =	vshll.u32 v10, $0x10;
	v10 =	vand.u32 $0xFFFF0000, v10  }
0xb7: {  	v21 =	vld [tilespmem:s13+$0xFFFFFF40];
	v13 =	vshll.u32 v14, $0x10;
	v14 =	vand.u32 $0xFFFF0000, v14;
	v12 =	vand.u32 $0xFFFF0000, v12  }
0xb8: {  	v22 =	vshll.u32 v16, $0x10;
	v23 =	vshll.u32 v15, $0x10;
	v24 =	vshll.u32 v17, $0x10  }
0xb9: {  	v25 =	vld [tilespmem:s13+$0xFFFFFF60];
	v26 =	vshll.u32 v18, $0x10;
	v18 =	vand.u32 $0xFFFF0000, v18;
	v27 =	vshll.u32 v20, $0x10  }
0xba: {  	v20 =	vand.u32 $0xFFFF0000, v20;
	v26 =	vadd.f32 v26, v19;
	v18 =	vadd.f32 v18, v19  }
0xbb: {  	v28 =	vld [tilespmem:s13+$0xFFFFFF80];
	v17 =	vand.u32 $0xFFFF0000, v17;
	v27 =	vadd.f32 v27, v19;
	v19 =	vadd.f32 v20, v19  }
0xbc: {  	v15 =	vand.u32 $0xFFFF0000, v15;
	v18 =	vadd.f32 v17, v18;
	v17 =	vand.u32 $0xFFFF0000, v21  }
0xbd: {  	v20 =	vshll.u32 v21, $0x10;
	v24 =	vadd.f32 v24, v26;
	v19 =	vadd.f32 v17, v19;
	v17 =	vld [tilespmem:s13+$0xFFFFFFA0]  }
0xbe: {  	v16 =	vand.u32 $0xFFFF0000, v16;
	v20 =	vadd.f32 v20, v27;
	v21 =	vshll.u32 v25, $0x10  }
0xbf: {  	v24 =	vadd.f32 v22, v24;
	v63 =	vadd.f32 v16, v18;
	v22 =	vand.u32 $0xFFFF0000, v25;
	v16 =	vld [tilespmem:s13+$0xFFFFFFC0]  }
0xc0: {  	v18 =	vadd.f32 v21, v20;
	v19 =	vadd.f32 v22, v19;
	v22 =	vshll.u32 v28, $0x10  }
0xc1: {  	s9 =	sor.u32 $0x2, s9;
	s14 =	simm.s32 $0x0;
	s15 =	simm.s32 $0xFBF0;
	v20 =	vadd.f32 v23, v24;
	v21 =	vadd.f32 v15, v63;
	v23 =	vand.u32 $0xFFFF0000, v28;
	v15 =	vld [tilespmem:s13+$0xFFFFFFE0]  }
.LBB2_7:
0xc2: {  	v24 =	vld [tilespmem:s15+$0xFFFFFFF0];
	v18 =	vadd.f32 v22, v18;
	v19 =	vadd.f32 v23, v19;
	v22 =	vshll.u32 v17, $0x10  }
0xc3: {  	v17 =	vand.u32 $0xFFFF0000, v17;
	v13 =	vadd.f32 v13, v20;
	v14 =	vadd.f32 v14, v21;
	v20 =	vld [tilespmem:s13+$0x0];
	s13 =	smov.u32 s15  }
0xc4: {  	v21 =	vld [tilespmem:s15+$0xFFFFFFD0];
	v18 =	vadd.f32 v22, v18;
	v17 =	vadd.f32 v17, v19;
	v19 =	vshll.u32 v16, $0x10  }
0xc5: {  	v22 =	vld [tilespmem:s15+$0xFFFFFFB0];
	v11 =	vadd.f32 v11, v13;
	v12 =	vadd.f32 v12, v14;
	v13 =	vand.u32 $0xFFFF0000, v16  }
0xc6: {  	v14 =	vld [tilespmem:s15+$0xFFFFFF90];
	v16 =	vadd.f32 v19, v18;
	v13 =	vadd.f32 v13, v17;
	v17 =	vshll.u32 v15, $0x10  }
0xc7: {  	v18 =	vld [tilespmem:s15+$0xFFFFFF70];
	v9 =	vadd.f32 v9, v11;
	v10 =	vadd.f32 v10, v12;
	v11 =	vand.u32 $0xFFFF0000, v15  }
0xc8: {  	v15 =	vld [tilespmem:s15+$0xFFFFFF50];
	v12 =	vadd.f32 v17, v16;
	v11 =	vadd.f32 v11, v13;
	v13 =	vshll.u32 v20, $0x10  }
0xc9: {  	v16 =	vld [tilespmem:s15+$0xFFFFFF30];
	v17 =	vadd.f32 v8, v9;
	v19 =	vadd.f32 v7, v10;
	v7 =	vand.u32 $0xFFFF0000, v20  }
0xca: {  	v20 =	vld [tilespmem:s15+$0xFFFFFF10];
	v23 =	vadd.f32 v13, v12;
	v25 =	vadd.f32 v7, v11  }
0xcb: {  	v8 =	vshll.u32 v24, $0x10;
	v7 =	vand.u32 $0xFFFF0000, v24;
	v26 =	vld [tilespmem:s15+$0xFFFFFF20]  }
0xcc: {  	s14 =	sadd.s32 $0x8, s14;
	v9 =	vshll.u32 v21, $0x10;
	v10 =	vand.u32 $0xFFFF0000, v21;
	v11 =	vshll.u32 v22, $0x10  }
0xcd: {  	p1 =	slt.u32 s14, $0xC0;
	v12 =	vand.u32 $0xFFFF0000, v22;
	v13 =	vshll.u32 v14, $0x10;
	v14 =	vand.u32 $0xFFFF0000, v14;
	v21 =	vld [tilespmem:s15+$0xFFFFFF40]  }
0xce: {  	v24 =	vshll.u32 v18, $0x10;
	v27 =	vand.u32 $0xFFFF0000, v18;
	v22 =	vshll.u32 v15, $0x10  }
0xcf: {  	v15 =	vand.u32 $0xFFFF0000, v15;
	v18 =	vshll.u32 v16, $0x10;
	v16 =	vand.u32 $0xFFFF0000, v16;
	v28 =	vld [tilespmem:s15+$0xFFFFFF60]  }
0xd0: {  	v29 =	vshll.u32 v20, $0x10;
	v20 =	vand.u32 $0xFFFF0000, v20;
	v30 =	vshll.u32 v26, $0x10  }
0xd1: {  	v17 =	vadd.f32 v29, v17;
	v19 =	vadd.f32 v20, v19;
	v20 =	vand.u32 $0xFFFF0000, v26;
	v26 =	vld [tilespmem:s15+$0xFFFFFF80]  }
0xd2: {  	v23 =	vadd.f32 v30, v23;
	v20 =	vadd.f32 v20, v25;
	v25 =	vshll.u32 v21, $0x10  }
.Ltmp2:
0xd3: {  	v18 =	vadd.f32 v18, v17;
	v16 =	vadd.f32 v16, v19;
	v19 =	vand.u32 $0xFFFF0000, v21;
	v17 =	vld [tilespmem:s15+$0xFFFFFFA0];
	(pc) =	sbr.rel @p1 .LBB2_7-.Ltmp2, $4  }
0xd4: {  	v21 =	vadd.f32 v25, v23;
	v19 =	vadd.f32 v19, v20;
	v20 =	vshll.u32 v28, $0x10  }
0xd5: {  	v23 =	vadd.f32 v22, v18;
	v15 =	vadd.f32 v15, v16;
	v22 =	vand.u32 $0xFFFF0000, v28;
	v16 =	vld [tilespmem:s15+$0xFFFFFFC0]  }
0xd6: {  	v18 =	vadd.f32 v20, v21;
	v19 =	vadd.f32 v22, v19;
	v22 =	vshll.u32 v26, $0x10  }
0xd7: {  	s15 =	sadd.s32 $0x100, s15;
	v20 =	vadd.f32 v24, v23;
	v21 =	vadd.f32 v27, v15;
	v23 =	vand.u32 $0xFFFF0000, v26;
	v15 =	vld [tilespmem:s13+$0xFFFFFFE0]  }
0xd8: {  	v18 =	vadd.f32 v22, v18;
	v19 =	vadd.f32 v23, v19;
	v22 =	vshll.u32 v17, $0x10  }
0xd9: {  	v17 =	vand.u32 $0xFFFF0000, v17;
	v13 =	vadd.f32 v13, v20;
	v14 =	vadd.f32 v14, v21  }
0xda: {  	v18 =	vadd.f32 v22, v18;
	v17 =	vadd.f32 v17, v19;
	v19 =	vshll.u32 v16, $0x10  }
0xdb: {  	s9 =	ssub.s32 s9, s0;
	v11 =	vadd.f32 v11, v13;
	v12 =	vadd.f32 v12, v14;
	v13 =	vand.u32 $0xFFFF0000, v16  }
0xdc: {  	s9 =	sshll.u32 s9, $0x7;
	v14 =	vld [tilespmem:s13+$0x0];
	v16 =	vadd.f32 v19, v18;
	v13 =	vadd.f32 v13, v17  }
0xdd: {  	v17 =	vshll.u32 v15, $0x10;
	v18 =	vor.u32 s9, v1;
	v19 =	vadd.s32 s9, v3  }
0xde: {  	v9 =	vadd.f32 v9, v11;
	v10 =	vadd.f32 v10, v12;
	v11 =	vor.u32 v2, v19  }
0xdf: {  	v12 =	vand.u32 $0xFFFF0000, v15;
	v15 =	vor.u32 s9, v5;
	v19 =	vadd.s32 s9, v6  }
0xe0: {  	v16 =	vadd.f32 v17, v16;
	v8 =	vadd.f32 v8, v9;
	v9 =	vor.u32 v4, v19  }
0xe1: {  	v12 =	vadd.f32 v12, v13;
	v7 =	vadd.f32 v7, v10;
	v13 =	vshll.u32 v14, $0x10  }
0xe2: {  	v10 =	vand.u32 $0xFFFF0000, v14;
	v13 =	vadd.f32 v13, v16;
	[tilespmem:v18+s25+$0x0] =	vst.idx.msk $0xffff, v8  }
0xe3: {  	v8 =	vadd.f32 v10, v12;
	[tilespmem:v11+s25+$0x0] =	vst.idx.msk $0xffff, v7  }
0xe4: {  	[tilespmem:v15+s25+$0x0] =	vst.idx.msk $0xffff, v13  }
0xe5: {  	[tilespmem:v9+s25+$0x0] =	vst.idx.msk $0xffff, v8  }
0xe6: {  	_ =	swait.ge [sflag:s29], $0x1900  }
0xe7: {  	s14 =	simm.s32 @!p0 $0xFA00;
	[sflag:s29] =	ssyncset.done $0x0  }
0xe8: {  	s13 =	simm.s32 @!p0 $0x60;
	s9 =	sadd.s32 @!p0 $0x4B0, s11;
	[sflag:s29] =	ssyncadd.s32 $0xFFFFE700  }
0xe9: {  	[tilespmem:s14], [sflag:$0x3] =	stream.indirect.gather @!p0 [hbm4b:s3+s13], $0x20, s9, s13, $0xb8;
	[tilespmem:$0x16C00] =	vst v63  }
0xea: {  	s9 =	sadd.s32 @!p0 $0x510, s11;
	s11 =	simm.s32 @!p0 $0x68;
	s13 =	simm.s32 @!p0 $0x10600  }
0xeb: {  	[tilespmem:s13], [sflag:$0x3] =	stream.indirect.gather @!p0 [hbm4b:s3+s11], $0x20, s9, s11, $0xb8;
	[tilespmem:$0x16C00] =	vst v63  }
0xec: {  	s9 =	simm.s32 $0x11300  }
0xed: {  	v7 =	vld [tilespmem:s9+$0xE0]  }
0xee: {  	v10 =	vld [tilespmem:s9+$0xC0]  }
0xef: {  	v12 =	vld [tilespmem:s9+$0xA0]  }
0xf0: {  	v14 =	vld [tilespmem:s9+$0x80]  }
0xf1: {  	v15 =	vld [tilespmem:s9+$0x60]  }
0xf2: {  	v16 =	vld [tilespmem:s9+$0x40]  }
0xf3: {  	v17 =	vld [tilespmem:s9+$0x20]  }
0xf4: {  	v18 =	vld [tilespmem:s9+$0x0]  }
0xf5: {  	v20 =	vld [tilespmem:s9+$0x10]  }
0xf6: {  	v19 =	vimm.f32 $0.0e+00;
	v8 =	vshll.u32 v7, $0x10;
	v7 =	vand.u32 $0xFFFF0000, v7  }
0xf7: {  	v11 =	vshll.u32 v12, $0x10;
	v9 =	vshll.u32 v10, $0x10;
	v10 =	vand.u32 $0xFFFF0000, v10  }
0xf8: {  	v21 =	vld [tilespmem:s9+$0x30];
	v13 =	vshll.u32 v14, $0x10;
	v14 =	vand.u32 $0xFFFF0000, v14;
	v12 =	vand.u32 $0xFFFF0000, v12  }
0xf9: {  	v22 =	vshll.u32 v16, $0x10;
	v23 =	vshll.u32 v15, $0x10;
	v24 =	vshll.u32 v17, $0x10  }
0xfa: {  	v25 =	vld [tilespmem:s9+$0x50];
	v26 =	vshll.u32 v18, $0x10;
	v18 =	vand.u32 $0xFFFF0000, v18;
	v27 =	vshll.u32 v20, $0x10  }
0xfb: {  	v20 =	vand.u32 $0xFFFF0000, v20;
	v26 =	vadd.f32 v26, v19;
	v18 =	vadd.f32 v18, v19  }
0xfc: {  	v28 =	vld [tilespmem:s9+$0x70];
	v17 =	vand.u32 $0xFFFF0000, v17;
	v27 =	vadd.f32 v27, v19;
	v19 =	vadd.f32 v20, v19  }
0xfd: {  	v15 =	vand.u32 $0xFFFF0000, v15;
	v18 =	vadd.f32 v17, v18;
	v17 =	vand.u32 $0xFFFF0000, v21  }
0xfe: {  	v20 =	vshll.u32 v21, $0x10;
	v24 =	vadd.f32 v24, v26;
	v19 =	vadd.f32 v17, v19;
	v17 =	vld [tilespmem:s9+$0x90]  }
0xff: {  	v16 =	vand.u32 $0xFFFF0000, v16;
	v20 =	vadd.f32 v20, v27;
	v21 =	vshll.u32 v25, $0x10  }
0x100: {  	v24 =	vadd.f32 v22, v24;
	v63 =	vadd.f32 v16, v18;
	v22 =	vand.u32 $0xFFFF0000, v25;
	v16 =	vld [tilespmem:s9+$0xB0]  }
0x101: {  	v18 =	vadd.f32 v21, v20;
	v19 =	vadd.f32 v22, v19;
	v22 =	vshll.u32 v28, $0x10  }
0x102: {  	s11 =	simm.s32 $0x0;
	s13 =	simm.s32 $0x11400;
	v20 =	vadd.f32 v23, v24;
	v21 =	vadd.f32 v15, v63;
	v23 =	vand.u32 $0xFFFF0000, v28;
	v15 =	vld [tilespmem:s9+$0xD0]  }
.LBB2_9:
0x103: {  	v24 =	vld [tilespmem:s13+$0xE0];
	v18 =	vadd.f32 v22, v18;
	v19 =	vadd.f32 v23, v19;
	v22 =	vshll.u32 v17, $0x10  }
0x104: {  	v17 =	vand.u32 $0xFFFF0000, v17;
	v13 =	vadd.f32 v13, v20;
	v14 =	vadd.f32 v14, v21;
	v20 =	vld [tilespmem:s9+$0xF0];
	s9 =	smov.u32 s13  }
0x105: {  	v21 =	vld [tilespmem:s13+$0xC0];
	v18 =	vadd.f32 v22, v18;
	v17 =	vadd.f32 v17, v19;
	v19 =	vshll.u32 v16, $0x10  }
0x106: {  	v22 =	vld [tilespmem:s13+$0xA0];
	v11 =	vadd.f32 v11, v13;
	v12 =	vadd.f32 v12, v14;
	v13 =	vand.u32 $0xFFFF0000, v16  }
0x107: {  	v14 =	vld [tilespmem:s13+$0x80];
	v16 =	vadd.f32 v19, v18;
	v13 =	vadd.f32 v13, v17;
	v17 =	vshll.u32 v15, $0x10  }
0x108: {  	v18 =	vld [tilespmem:s13+$0x60];
	v9 =	vadd.f32 v9, v11;
	v10 =	vadd.f32 v10, v12;
	v11 =	vand.u32 $0xFFFF0000, v15  }
0x109: {  	v15 =	vld [tilespmem:s13+$0x40];
	v12 =	vadd.f32 v17, v16;
	v11 =	vadd.f32 v11, v13;
	v13 =	vshll.u32 v20, $0x10  }
0x10a: {  	v16 =	vld [tilespmem:s13+$0x20];
	v17 =	vadd.f32 v8, v9;
	v19 =	vadd.f32 v7, v10;
	v7 =	vand.u32 $0xFFFF0000, v20  }
0x10b: {  	v20 =	vld [tilespmem:s13+$0x0];
	v23 =	vadd.f32 v13, v12;
	v25 =	vadd.f32 v7, v11  }
0x10c: {  	v8 =	vshll.u32 v24, $0x10;
	v7 =	vand.u32 $0xFFFF0000, v24;
	v26 =	vld [tilespmem:s13+$0x10]  }
0x10d: {  	s11 =	sadd.s32 $0x8, s11;
	v9 =	vshll.u32 v21, $0x10;
	v10 =	vand.u32 $0xFFFF0000, v21;
	v11 =	vshll.u32 v22, $0x10  }
0x10e: {  	p0 =	slt.u32 s11, $0xC0;
	v12 =	vand.u32 $0xFFFF0000, v22;
	v13 =	vshll.u32 v14, $0x10;
	v14 =	vand.u32 $0xFFFF0000, v14;
	v21 =	vld [tilespmem:s13+$0x30]  }
0x10f: {  	v24 =	vshll.u32 v18, $0x10;
	v27 =	vand.u32 $0xFFFF0000, v18;
	v22 =	vshll.u32 v15, $0x10  }
0x110: {  	v15 =	vand.u32 $0xFFFF0000, v15;
	v18 =	vshll.u32 v16, $0x10;
	v16 =	vand.u32 $0xFFFF0000, v16;
	v28 =	vld [tilespmem:s13+$0x50]  }
0x111: {  	v29 =	vshll.u32 v20, $0x10;
	v20 =	vand.u32 $0xFFFF0000, v20;
	v30 =	vshll.u32 v26, $0x10  }
0x112: {  	v17 =	vadd.f32 v29, v17;
	v19 =	vadd.f32 v20, v19;
	v20 =	vand.u32 $0xFFFF0000, v26;
	v26 =	vld [tilespmem:s13+$0x70]  }
0x113: {  	v23 =	vadd.f32 v30, v23;
	v20 =	vadd.f32 v20, v25;
	v25 =	vshll.u32 v21, $0x10  }
.Ltmp3:
0x114: {  	v18 =	vadd.f32 v18, v17;
	v16 =	vadd.f32 v16, v19;
	v19 =	vand.u32 $0xFFFF0000, v21;
	v17 =	vld [tilespmem:s13+$0x90];
	(pc) =	sbr.rel @p0 .LBB2_9-.Ltmp3, $4  }
0x115: {  	v21 =	vadd.f32 v25, v23;
	v19 =	vadd.f32 v19, v20;
	v20 =	vshll.u32 v28, $0x10  }
0x116: {  	v23 =	vadd.f32 v22, v18;
	v15 =	vadd.f32 v15, v16;
	v22 =	vand.u32 $0xFFFF0000, v28;
	v16 =	vld [tilespmem:s13+$0xB0]  }
0x117: {  	v18 =	vadd.f32 v20, v21;
	v19 =	vadd.f32 v22, v19;
	v22 =	vshll.u32 v26, $0x10  }
0x118: {  	s13 =	sadd.s32 $0x100, s13;
	v20 =	vadd.f32 v24, v23;
	v21 =	vadd.f32 v27, v15;
	v23 =	vand.u32 $0xFFFF0000, v26;
	v15 =	vld [tilespmem:s9+$0xD0]  }
0x119: {  	v18 =	vadd.f32 v22, v18;
	v19 =	vadd.f32 v23, v19;
	v54 =	vshll.u32 v17, $0x10  }
0x11a: {  	v55 =	vand.u32 $0xFFFF0000, v17;
	s0 =	ssub.s32 s1, s0;
	v13 =	vadd.f32 v13, v20;
	v14 =	vadd.f32 v14, v21  }
0x11b: {  	s0 =	sshll.u32 s0, $0x7;
	v18 =	vadd.f32 v54, v18;
	v17 =	vadd.f32 v55, v19  }
0x11c: {  	v56 =	vshll.u32 v16, $0x10;
	v57 =	vand.u32 $0xFFFF0000, v16;
	v1 =	vor.u32 s0, v1  }
0x11d: {  	v58 =	vld [tilespmem:s9+$0xF0];
	v3 =	vadd.s32 s0, v3;
	v5 =	vor.u32 s0, v5;
	v11 =	vadd.f32 v11, v13  }
0x11e: {  	v6 =	vadd.s32 s0, v6;
	v12 =	vadd.f32 v12, v14;
	v2 =	vor.u32 v2, v3  }
0x11f: {  	v4 =	vor.u32 v4, v6;
	v59 =	vadd.f32 v56, v18;
	v9 =	vadd.f32 v9, v11  }
0x120: {  	s31 =	sadd.s32 $0x1, s31;
	v13 =	vadd.f32 v57, v17;
	v60 =	vshll.u32 v15, $0x10;
	v10 =	vadd.f32 v10, v12  }
0x121: {  	p0 =	sne.s32 s31, $0x40;
	v3 =	vand.u32 $0xFFFF0000, v15;
	v61 =	vadd.f32 v60, v59;
	v8 =	vadd.f32 v8, v9  }
.Ltmp4:
0x122: {  	v62 =	vshll.u32 v58, $0x10;
	v3 =	vadd.f32 v3, v13;
	v7 =	vadd.f32 v7, v10;
	(pc) =	sbr.rel @p0 .LBB2_2-.Ltmp4, $4  }
0x123: {  	v63 =	vand.u32 $0xFFFF0000, v58;
	v6 =	vadd.f32 v62, v61;
	[tilespmem:v1+s25+$0x0] =	vst.idx.msk $0xffff, v8  }
0x124: {  	v1 =	vadd.f32 v63, v3;
	[tilespmem:v2+s25+$0x0] =	vst.idx.msk $0xffff, v7  }
0x125: {  	[tilespmem:v5+s25+$0x0] =	vst.idx.msk $0xffff, v6  }
0x126: {  	[tilespmem:v4+s25+$0x0] =	vst.idx.msk $0xffff, v1  }
0x127: {  	s30 =	sadd.s32 $0x1, s30  }
0x128: {  	p0 =	sne.s32 s30, s7  }
.Ltmp5:
0x129: {  	_ = 	snop;
	(pc) =	sbr.rel @p0 .LBB2_1-.Ltmp5, $4  }
0x12a: {  	[hbm4b:s6+s2] =	stream.linear.scatter [tilespmem:s25], [sflag:$0x5], $0x4000, $0x38;
	[tilespmem:$0x16C00] =	vst v63  }
0x12b: {  	_ =	swait.ge [sflag:s8], $0x4000  }
0x12c: {  	[sflag:s8] =	ssyncset.done $0x0  }
0x12d: {  	[sflag:s8] =	ssyncadd.s32 $0xFFFFC000  }
0x12e: {  	_ =	sfence.sel $0x180000  }
0x12f: {  	[bflag:$0x0] =	sbarrier.arrive $0xFFFF  }
0x130: {  	_ =	strace $0x90000047  }
0x131: {  	s0 =	stileid.u32;
	[bflag:$0x2] =	sbarrier.arrive $0xFFFF  }
0x132: {  	p0 =	sne.s32 s0, $0x0;
	s0 =	rddreg [dreg:$0x1]  }
0x133: {  	s0 =	sadd.s32 @!p0 $0x100000, s0  }
0x134: {  	[sflag:s0] =	ssyncadd.tile.s32 @!p0 $0x1;
	_ =	shalt  }
.Lfunc_end2:
_tile_overlayer_lowered:
.L_overlay_start_2:
0x135: {  	(tag) =	ssettag $0x2  }
0x136: {  	s0 =	rddreg [dreg:$0x0];
	s2 =	stileid.u32  }
0x137: {  	s1 =	rddreg [dreg:$0x1];
	p0 =	sne.s32 s2, $0x0  }
0x138: {  	s3 =	rddreg [dreg:$0x2];
	[bflag:$0x3] =	sbarrier.arrive $0xFFFF;
	s2 =	simm.s32 @!p0 $0x1C05  }
0x139: {  	[timem:s3], [sflag:s2] =	dma.local @!p0 [hbm:s0], s1  }
0x13a: {  	s0 =	simm.s32 @!p0 $0x5  }
0x13b: {  	_ =	swait.ge @!p0 [sflag:s0], s1  }
0x13c: {  	s1 =	ssub.s32 @!p0 $0x0, s1;
	[sflag:s0] =	ssyncset.done @!p0 $0x0  }
0x13d: {  	[sflag:s0] =	ssyncadd.s32 @!p0 s1  }
0x13e: {  	[bflag:$0x3] =	sbarrier.arrive $0xFFFF  }
0x13f: {  	_ =	shalt  }

</sc_bundles>
